<compile_context>
chip_gen: v7x
topology: tpu7x:2x2x1
jax: 0.10.2.dev20260603
libtpu: 0.0.44.dev20260713+nightly
codegen_flags: <defaults>
</compile_context>

<pallas_src>
import functools

import jax
import jax.numpy as jnp
from jax import lax
from jax.experimental import pallas as pl
from jax.experimental.pallas import tpu as pltpu
from jax.experimental.pallas import tpu_sc as plsc

_BQ = 2048
_BN = 2048

_NC, _NS, _L = 2, 16, 16
_NW = _NC * _NS


_IDBITS = 10
_IDMASK = (1 << _IDBITS) - 1


def _prep_body(k_ref, q_ref, kaug_ref, qaug_ref, *, n, bn):
    i = pl.program_id(0)
    kbt = jnp.transpose(k_ref[...], (1, 0))
    cols = i * bn + lax.broadcasted_iota(jnp.int32, (1, bn), 1)
    valid = cols < n
    kbt = jnp.where(valid, kbt, 0.0)
    ones_row = jnp.ones((1, kbt.shape[0]), jnp.float32)
    ksq = lax.dot_general(ones_row, kbt * kbt, (((1,), (0,)), ((), ())),
                          preferred_element_type=jnp.float32)
    ksq = jnp.where(valid, ksq, 1e9)
    ksq_hi = ksq.astype(jnp.bfloat16)
    ksq_lo = (ksq - ksq_hi.astype(jnp.float32)).astype(jnp.bfloat16)
    ones = jnp.ones_like(ksq_hi)
    kaug_ref[...] = jnp.concatenate(
        [kbt.astype(jnp.bfloat16), ksq_hi, ksq_lo, ones, ones], axis=0)
    qbt = jnp.transpose(q_ref[...], (1, 0))
    qsq = lax.dot_general(ones_row, qbt * qbt, (((1,), (0,)), ((), ())),
                          preferred_element_type=jnp.float32)
    qsq_hi = qsq.astype(jnp.bfloat16)
    qsq_lo = (qsq - qsq_hi.astype(jnp.float32)).astype(jnp.bfloat16)
    ones_q = jnp.ones_like(qsq_hi)
    qaug_ref[...] = jnp.concatenate(
        [(qbt * -2.0).astype(jnp.bfloat16), ones_q, ones_q, qsq_hi, qsq_lo],
        axis=0)


def _prep(inputs, keys, npad):
    n, d = keys.shape
    q = inputs.shape[0]
    qb_last = q // _BN - 1
    return pl.pallas_call(
        functools.partial(_prep_body, n=n, bn=_BN),
        grid=(npad // _BN,),
        in_specs=[
            pl.BlockSpec((_BN, d), lambda i: (i, 0)),
            pl.BlockSpec((_BN, d), lambda i: (jnp.minimum(i, qb_last), 0)),
        ],
        out_specs=[
            pl.BlockSpec((d + 4, _BN), lambda i: (0, i)),
            pl.BlockSpec((d + 4, _BN), lambda i: (0, jnp.minimum(i, qb_last))),
        ],
        out_shape=[
            jax.ShapeDtypeStruct((d + 4, npad), jnp.bfloat16),
            jax.ShapeDtypeStruct((d + 4, q), jnp.bfloat16),
        ],
    )(keys, inputs)


def _nn_body(q_ref, k_ref, out_ref, acc_ref, *, bn):
    inn = pl.program_id(1)
    nn = pl.num_programs(1)
    nchunks = bn // 128

    d2 = lax.dot_general(q_ref[...], k_ref[...], (((0,), (0,)), ((), ())),
                         preferred_element_type=jnp.float32)

    bitsm = lax.bitcast_convert_type(d2, jnp.int32) & jnp.int32(~_IDMASK)
    base = inn * nchunks
    packed = []
    for c in range(nchunks):
        pc = bitsm[:, c * 128:(c + 1) * 128] | (base + c)
        packed.append(lax.bitcast_convert_type(pc, jnp.float32))
    while len(packed) > 1:
        packed = [jnp.minimum(packed[i], packed[i + 1])
                  for i in range(0, len(packed) - 1, 2)] + (
                      [packed[-1]] if len(packed) % 2 else [])
    m = packed[0]

    @pl.when(inn == 0)
    def _():
        acc_ref[...] = m

    @pl.when(inn > 0)
    def _():
        acc_ref[...] = jnp.minimum(acc_ref[...], m)

    @pl.when(inn == nn - 1)
    def _():
        merged = acc_ref[...]
        fmin = jnp.min(merged, axis=1, keepdims=True)
        lane128 = lax.broadcasted_iota(jnp.int32, merged.shape, 1)
        lane = jnp.min(jnp.where(merged == fmin, lane128, jnp.int32(127)),
                       axis=1, keepdims=True)
        idp = lax.bitcast_convert_type(fmin, jnp.int32) & jnp.int32(_IDMASK)
        out_ref[...] = (idp * 128 + lane)[:, 0]


def _nn_argmin(inputs, keys):
    q, d = inputs.shape
    n = keys.shape[0]
    npad = ((n + _BN - 1) // _BN) * _BN
    kaug, qaug = _prep(inputs, keys, npad)
    grid = (q // _BQ, npad // _BN)
    return pl.pallas_call(
        functools.partial(_nn_body, bn=_BN),
        grid=grid,
        in_specs=[
            pl.BlockSpec((d + 4, _BQ), lambda iq, inn: (0, iq)),
            pl.BlockSpec((d + 4, _BN), lambda iq, inn: (0, inn)),
        ],
        out_specs=pl.BlockSpec((_BQ,), lambda iq, inn: (iq,)),
        out_shape=jax.ShapeDtypeStruct((q,), jnp.int32),
        scratch_shapes=[
            pltpu.VMEM((_BQ, 128), jnp.float32),
        ],
        compiler_params=pltpu.CompilerParams(
            dimension_semantics=("parallel", "arbitrary")),
    )(qaug, kaug)


def _gather_sigmoid(w_flat, idx):
    q = idx.shape[0]
    bpw = q // _NW
    mesh = plsc.VectorSubcoreMesh(core_axis_name="c", subcore_axis_name="s")

    @functools.partial(
        pl.kernel,
        out_type=jax.ShapeDtypeStruct((2, q), jnp.float32),
        mesh=mesh,
        scratch_types=[
            pltpu.VMEM((bpw,), jnp.int32),
            pltpu.VMEM((bpw,), jnp.float32),
            pltpu.VMEM((bpw,), jnp.float32),
            pltpu.VMEM((bpw,), jnp.float32),
            pltpu.SemaphoreType.DMA,
        ],
    )
    def k(w_hbm, idx_hbm, out_hbm, idx_v, val_v, y0_v, y1_v, sem):
        wid = lax.axis_index("s") * _NC + lax.axis_index("c")
        base = wid * bpw
        pltpu.sync_copy(idx_hbm.at[pl.ds(base, bpw)], idx_v)
        pltpu.async_copy(w_hbm.at[idx_v], val_v, sem).wait()
        for i in range(bpw // _L):
            x = val_v[pl.ds(i * _L, _L)]
            s = 1.0 / (1.0 + jnp.exp(-x))
            y0_v[pl.ds(i * _L, _L)] = s
            y1_v[pl.ds(i * _L, _L)] = 1.0 - s
        pltpu.sync_copy(y0_v, out_hbm.at[0, pl.ds(base, bpw)])
        pltpu.sync_copy(y1_v, out_hbm.at[1, pl.ds(base, bpw)])

    return k(w_flat, idx)


def kernel(inputs, keys, w):
    idx = _nn_argmin(inputs, keys)
    y01 = _gather_sigmoid(w.reshape(-1), idx)
    return y01.T

# --- scband reference (transcript-rebuilt; emitter-appended) ---
"""Pipeline reference for scband-sigmoid-49864570307162 (READ-ONLY COPY).

The authoritative reference and input builder live on the scoring server;
editing this copy changes nothing except your own understanding.
"""

import jax, jax.numpy as jnp
import numpy as np

N = 100000   # corpus size / rows of weight table (init N)
D = 64       # feature dim
Q = 4096     # number of query points
N_OUT = 1    # n_out_0 == 2 -> n_out = 1 (sigmoid branch)


def setup_inputs(seed: int = 0) -> dict:
    key = jax.random.key(seed)
    k1, k2, k3 = jax.random.split(key, 3)
    inputs = jax.random.normal(k1, (Q, D), dtype=jnp.float32)
    keys = jax.random.normal(k2, (N, D), dtype=jnp.float32)
    # Learned per-corpus-point weights (original init is zeros; use small random
    # values so the sigmoid output is non-degenerate).
    w = jax.random.normal(k3, (N, N_OUT), dtype=jnp.float32) * 0.02
    return {"inputs": inputs, "keys": keys, "w": w}


def reference(inputs, keys, w):
    # Inference path of Sigmoid.call: KDTree 1-NN query over the training
    # corpus, emulated with an exact brute-force nearest-neighbor search
    # (squared Euclidean distance, same metric as scipy KDTree k=1).
    q_sq = jnp.sum(inputs * inputs, axis=1, keepdims=True)          # [Q, 1]
    k_sq = jnp.sum(keys * keys, axis=1)                              # [N]
    d2 = q_sq - 2.0 * (inputs @ keys.T) + k_sq[None, :]              # [Q, N]
    idx = jnp.argmin(d2, axis=1)                                     # [Q]
    weight = jnp.take(w, idx, axis=0)                                # [Q, 1] gather
    # weight.shape[1] == 1 -> sigmoid branch
    y0 = jax.nn.sigmoid(weight)
    y = jnp.concatenate([y0, 1.0 - y0], axis=1)                      # [Q, 2]
    return y

if __name__ == "__main__":
    import jax
    _d = setup_inputs()
    print(jax.jit(kernel)(*tuple(_d.values())))

</pallas_src>

<mosaic_0001>
#map = affine_map<(d0, d1) -> (0)>
#map1 = affine_map<(d0, d1) -> (0, 0)>
module attributes {stable_mosaic.version = 14 : i64} {
  func.func @k(%arg0: i32, %arg1: i32, %arg2: memref<100000xf32, #tpu.memory_space<hbm>>, %arg3: memref<4096xi32, #tpu.memory_space<hbm>>, %arg4: memref<2x4096xf32, #tpu.memory_space<hbm>>, %arg5: memref<128xi32, #tpu.memory_space<vmem>>, %arg6: memref<128xf32, #tpu.memory_space<vmem>>, %arg7: memref<128xf32, #tpu.memory_space<vmem>>, %arg8: memref<128xf32, #tpu.memory_space<vmem>>, %arg9: memref<!tpu.dma_semaphore, #tpu.memory_space<semaphore_mem>>) attributes {dimension_semantics = [#tpu.dimension_semantics<core_parallel>, #tpu.dimension_semantics<subcore_parallel>], iteration_bounds = array<i64: 2, 16>, scalar_prefetch = 0 : i64, scratch_operands = 5 : i64, tpu.core_type = #tpu.core_type<sc_vector_subcore>, window_params = [{transform_indices = #map}, {transform_indices = #map}, {transform_indices = #map1}]} {
    %mul3A = arith.constant 2 : i32
    %mul3A_0 = arith.muli %arg1, %mul3A : i32
    %add3A = arith.addi %mul3A_0, %arg0 : i32
    %mul3A_1 = arith.constant 128 : i32
    %mul3A_2 = arith.muli %add3A, %mul3A_1 : i32
    "tpu.region"() ({
      %run_scoped3A_192 = tpu.sem_alloc : memref<!tpu.dma_semaphore, #tpu.memory_space<semaphore_mem>>
      %dma_start3A_193 = tpu.memref_slice %arg3[%mul3A_2] : memref<4096xi32, #tpu.memory_space<hbm>> -> memref<128xi32, #tpu.memory_space<hbm>>
      %dma_start3A_194 = tpu.memref_slice %arg3[%mul3A_2] : memref<4096xi32, #tpu.memory_space<hbm>> -> memref<128xi32, #tpu.memory_space<hbm>>
      tpu.enqueue_dma source(%dma_start3A_194 : memref<128xi32, #tpu.memory_space<hbm>>) target(%arg5 : memref<128xi32, #tpu.memory_space<vmem>>) target_semaphore(%run_scoped3A_192 : memref<!tpu.dma_semaphore, #tpu.memory_space<semaphore_mem>>)
      %dma_wait3A_195 = tpu.memref_slice %arg3[%mul3A_2] : memref<4096xi32, #tpu.memory_space<hbm>> -> memref<128xi32, #tpu.memory_space<hbm>>
      %dma_wait3A_196 = tpu.memref_slice %arg3[%mul3A_2] : memref<4096xi32, #tpu.memory_space<hbm>> -> memref<128xi32, #tpu.memory_space<hbm>>
      tpu.wait_dma2 semaphore(%run_scoped3A_192 : memref<!tpu.dma_semaphore, #tpu.memory_space<semaphore_mem>>) src(%dma_wait3A_196 : memref<128xi32, #tpu.memory_space<hbm>>) dst(%arg5 : memref<128xi32, #tpu.memory_space<vmem>>)
      tpu.yield
    }) : () -> ()
    %dma_start3A = arith.constant 0 : i32
    %dma_start3A_3 = tpu.memref_slice %arg2[%dma_start3A] : memref<100000xf32, #tpu.memory_space<hbm>> -> memref<100000xf32, #tpu.memory_space<hbm>>
    tpu.enqueue_indirect_dma source(%dma_start3A_3 : memref<100000xf32, #tpu.memory_space<hbm>>) target(%arg6 : memref<128xf32, #tpu.memory_space<vmem>>) offsets(%arg5 : memref<128xi32, #tpu.memory_space<vmem>>) semaphore(%arg9 : memref<!tpu.dma_semaphore, #tpu.memory_space<semaphore_mem>>)
    %dma_wait3A = arith.constant 0 : i32
    %dma_wait3A_4 = tpu.memref_slice %arg2[%dma_wait3A] : memref<100000xf32, #tpu.memory_space<hbm>> -> memref<100000xf32, #tpu.memory_space<hbm>>
    tpu.wait_indirect_dma semaphore(%arg9 : memref<!tpu.dma_semaphore, #tpu.memory_space<semaphore_mem>>) src(%dma_wait3A_4 : memref<100000xf32, #tpu.memory_space<hbm>>) dst(%arg6 : memref<128xf32, #tpu.memory_space<vmem>>)
    %get3A = arith.constant 0 : index
    %get3A_5 = tpu.vector_load %arg6[%get3A] {strides = array<i32>} : memref<128xf32, #tpu.memory_space<vmem>>, vector<16xf32>,
    %get3A_6 = vector.shape_cast %get3A_5 : vector<16xf32> to vector<16xf32>
    %neg3A = arith.constant 0.000000e+00 : f32
    %neg3A_7 = vector.broadcast %neg3A : f32 to vector<16xf32>
    %neg3A_8 = arith.subf %neg3A_7, %get3A_6 : vector<16xf32>
    %exp3A = math.exp %neg3A_8 : vector<16xf32>
    %add3A_9 = arith.constant 1.000000e+00 : f32
    %add3A_10 = vector.broadcast %add3A_9 : f32 to vector<16xf32>
    %add3A_11 = arith.addf %add3A_10, %exp3A : vector<16xf32>
    %div3A = arith.constant 1.000000e+00 : f32
    %div3A_12 = vector.broadcast %div3A : f32 to vector<16xf32>
    %div3A_13 = arith.divf %div3A_12, %add3A_11 : vector<16xf32>
    %swap3A = arith.constant 0 : index
    %swap3A_14 = tpu.vector_load %arg7[%swap3A] {strides = array<i32>} : memref<128xf32, #tpu.memory_space<vmem>>, vector<16xf32>,
    %swap3A_15 = vector.shape_cast %swap3A_14 : vector<16xf32> to vector<16xf32>
    %swap3A_16 = vector.shape_cast %div3A_13 : vector<16xf32> to vector<16xf32>
    tpu.vector_store %arg7[%swap3A], %swap3A_16 {strides = array<i32>} : memref<128xf32, #tpu.memory_space<vmem>>, vector<16xf32>,
    %sub3A = arith.constant 1.000000e+00 : f32
    %sub3A_17 = vector.broadcast %sub3A : f32 to vector<16xf32>
    %sub3A_18 = arith.subf %sub3A_17, %div3A_13 : vector<16xf32>
    %swap3A_19 = arith.constant 0 : index
    %swap3A_20 = tpu.vector_load %arg8[%swap3A_19] {strides = array<i32>} : memref<128xf32, #tpu.memory_space<vmem>>, vector<16xf32>,
    %swap3A_21 = vector.shape_cast %swap3A_20 : vector<16xf32> to vector<16xf32>
    %swap3A_22 = vector.shape_cast %sub3A_18 : vector<16xf32> to vector<16xf32>
    tpu.vector_store %arg8[%swap3A_19], %swap3A_22 {strides = array<i32>} : memref<128xf32, #tpu.memory_space<vmem>>, vector<16xf32>,
    %get3A_23 = arith.constant 16 : index
    %get3A_24 = tpu.vector_load %arg6[%get3A_23] {strides = array<i32>} : memref<128xf32, #tpu.memory_space<vmem>>, vector<16xf32>,
    %get3A_25 = vector.shape_cast %get3A_24 : vector<16xf32> to vector<16xf32>
    %neg3A_26 = arith.constant 0.000000e+00 : f32
    %neg3A_27 = vector.broadcast %neg3A_26 : f32 to vector<16xf32>
    %neg3A_28 = arith.subf %neg3A_27, %get3A_25 : vector<16xf32>
    %exp3A_29 = math.exp %neg3A_28 : vector<16xf32>
    %add3A_30 = arith.constant 1.000000e+00 : f32
    %add3A_31 = vector.broadcast %add3A_30 : f32 to vector<16xf32>
    %add3A_32 = arith.addf %add3A_31, %exp3A_29 : vector<16xf32>
    %div3A_33 = arith.constant 1.000000e+00 : f32
    %div3A_34 = vector.broadcast %div3A_33 : f32 to vector<16xf32>
    %div3A_35 = arith.divf %div3A_34, %add3A_32 : vector<16xf32>
    %swap3A_36 = arith.constant 16 : index
    %swap3A_37 = tpu.vector_load %arg7[%swap3A_36] {strides = array<i32>} : memref<128xf32, #tpu.memory_space<vmem>>, vector<16xf32>,
    %swap3A_38 = vector.shape_cast %swap3A_37 : vector<16xf32> to vector<16xf32>
    %swap3A_39 = vector.shape_cast %div3A_35 : vector<16xf32> to vector<16xf32>
    tpu.vector_store %arg7[%swap3A_36], %swap3A_39 {strides = array<i32>} : memref<128xf32, #tpu.memory_space<vmem>>, vector<16xf32>,
    %sub3A_40 = arith.constant 1.000000e+00 : f32
    %sub3A_41 = vector.broadcast %sub3A_40 : f32 to vector<16xf32>
    %sub3A_42 = arith.subf %sub3A_41, %div3A_35 : vector<16xf32>
    %swap3A_43 = arith.constant 16 : index
    %swap3A_44 = tpu.vector_load %arg8[%swap3A_43] {strides = array<i32>} : memref<128xf32, #tpu.memory_space<vmem>>, vector<16xf32>,
    %swap3A_45 = vector.shape_cast %swap3A_44 : vector<16xf32> to vector<16xf32>
    %swap3A_46 = vector.shape_cast %sub3A_42 : vector<16xf32> to vector<16xf32>
    tpu.vector_store %arg8[%swap3A_43], %swap3A_46 {strides = array<i32>} : memref<128xf32, #tpu.memory_space<vmem>>, vector<16xf32>,
    %get3A_47 = arith.constant 32 : index
    %get3A_48 = tpu.vector_load %arg6[%get3A_47] {strides = array<i32>} : memref<128xf32, #tpu.memory_space<vmem>>, vector<16xf32>,
    %get3A_49 = vector.shape_cast %get3A_48 : vector<16xf32> to vector<16xf32>
    %neg3A_50 = arith.constant 0.000000e+00 : f32
    %neg3A_51 = vector.broadcast %neg3A_50 : f32 to vector<16xf32>
    %neg3A_52 = arith.subf %neg3A_51, %get3A_49 : vector<16xf32>
    %exp3A_53 = math.exp %neg3A_52 : vector<16xf32>
    %add3A_54 = arith.constant 1.000000e+00 : f32
    %add3A_55 = vector.broadcast %add3A_54 : f32 to vector<16xf32>
    %add3A_56 = arith.addf %add3A_55, %exp3A_53 : vector<16xf32>
    %div3A_57 = arith.constant 1.000000e+00 : f32
    %div3A_58 = vector.broadcast %div3A_57 : f32 to vector<16xf32>
    %div3A_59 = arith.divf %div3A_58, %add3A_56 : vector<16xf32>
    %swap3A_60 = arith.constant 32 : index
    %swap3A_61 = tpu.vector_load %arg7[%swap3A_60] {strides = array<i32>} : memref<128xf32, #tpu.memory_space<vmem>>, vector<16xf32>,
    %swap3A_62 = vector.shape_cast %swap3A_61 : vector<16xf32> to vector<16xf32>
    %swap3A_63 = vector.shape_cast %div3A_59 : vector<16xf32> to vector<16xf32>
    tpu.vector_store %arg7[%swap3A_60], %swap3A_63 {strides = array<i32>} : memref<128xf32, #tpu.memory_space<vmem>>, vector<16xf32>,
    %sub3A_64 = arith.constant 1.000000e+00 : f32
    %sub3A_65 = vector.broadcast %sub3A_64 : f32 to vector<16xf32>
    %sub3A_66 = arith.subf %sub3A_65, %div3A_59 : vector<16xf32>
    %swap3A_67 = arith.constant 32 : index
    %swap3A_68 = tpu.vector_load %arg8[%swap3A_67] {strides = array<i32>} : memref<128xf32, #tpu.memory_space<vmem>>, vector<16xf32>,
    %swap3A_69 = vector.shape_cast %swap3A_68 : vector<16xf32> to vector<16xf32>
    %swap3A_70 = vector.shape_cast %sub3A_66 : vector<16xf32> to vector<16xf32>
    tpu.vector_store %arg8[%swap3A_67], %swap3A_70 {strides = array<i32>} : memref<128xf32, #tpu.memory_space<vmem>>, vector<16xf32>,
    %get3A_71 = arith.constant 48 : index
    %get3A_72 = tpu.vector_load %arg6[%get3A_71] {strides = array<i32>} : memref<128xf32, #tpu.memory_space<vmem>>, vector<16xf32>,
    %get3A_73 = vector.shape_cast %get3A_72 : vector<16xf32> to vector<16xf32>
    %neg3A_74 = arith.constant 0.000000e+00 : f32
    %neg3A_75 = vector.broadcast %neg3A_74 : f32 to vector<16xf32>
    %neg3A_76 = arith.subf %neg3A_75, %get3A_73 : vector<16xf32>
    %exp3A_77 = math.exp %neg3A_76 : vector<16xf32>
    %add3A_78 = arith.constant 1.000000e+00 : f32
    %add3A_79 = vector.broadcast %add3A_78 : f32 to vector<16xf32>
    %add3A_80 = arith.addf %add3A_79, %exp3A_77 : vector<16xf32>
    %div3A_81 = arith.constant 1.000000e+00 : f32
    %div3A_82 = vector.broadcast %div3A_81 : f32 to vector<16xf32>
    %div3A_83 = arith.divf %div3A_82, %add3A_80 : vector<16xf32>
    %swap3A_84 = arith.constant 48 : index
    %swap3A_85 = tpu.vector_load %arg7[%swap3A_84] {strides = array<i32>} : memref<128xf32, #tpu.memory_space<vmem>>, vector<16xf32>,
    %swap3A_86 = vector.shape_cast %swap3A_85 : vector<16xf32> to vector<16xf32>
    %swap3A_87 = vector.shape_cast %div3A_83 : vector<16xf32> to vector<16xf32>
    tpu.vector_store %arg7[%swap3A_84], %swap3A_87 {strides = array<i32>} : memref<128xf32, #tpu.memory_space<vmem>>, vector<16xf32>,
    %sub3A_88 = arith.constant 1.000000e+00 : f32
    %sub3A_89 = vector.broadcast %sub3A_88 : f32 to vector<16xf32>
    %sub3A_90 = arith.subf %sub3A_89, %div3A_83 : vector<16xf32>
    %swap3A_91 = arith.constant 48 : index
    %swap3A_92 = tpu.vector_load %arg8[%swap3A_91] {strides = array<i32>} : memref<128xf32, #tpu.memory_space<vmem>>, vector<16xf32>,
    %swap3A_93 = vector.shape_cast %swap3A_92 : vector<16xf32> to vector<16xf32>
    %swap3A_94 = vector.shape_cast %sub3A_90 : vector<16xf32> to vector<16xf32>
    tpu.vector_store %arg8[%swap3A_91], %swap3A_94 {strides = array<i32>} : memref<128xf32, #tpu.memory_space<vmem>>, vector<16xf32>,
    %get3A_95 = arith.constant 64 : index
    %get3A_96 = tpu.vector_load %arg6[%get3A_95] {strides = array<i32>} : memref<128xf32, #tpu.memory_space<vmem>>, vector<16xf32>,
    %get3A_97 = vector.shape_cast %get3A_96 : vector<16xf32> to vector<16xf32>
    %neg3A_98 = arith.constant 0.000000e+00 : f32
    %neg3A_99 = vector.broadcast %neg3A_98 : f32 to vector<16xf32>
    %neg3A_100 = arith.subf %neg3A_99, %get3A_97 : vector<16xf32>
    %exp3A_101 = math.exp %neg3A_100 : vector<16xf32>
    %add3A_102 = arith.constant 1.000000e+00 : f32
    %add3A_103 = vector.broadcast %add3A_102 : f32 to vector<16xf32>
    %add3A_104 = arith.addf %add3A_103, %exp3A_101 : vector<16xf32>
    %div3A_105 = arith.constant 1.000000e+00 : f32
    %div3A_106 = vector.broadcast %div3A_105 : f32 to vector<16xf32>
    %div3A_107 = arith.divf %div3A_106, %add3A_104 : vector<16xf32>
    %swap3A_108 = arith.constant 64 : index
    %swap3A_109 = tpu.vector_load %arg7[%swap3A_108] {strides = array<i32>} : memref<128xf32, #tpu.memory_space<vmem>>, vector<16xf32>,
    %swap3A_110 = vector.shape_cast %swap3A_109 : vector<16xf32> to vector<16xf32>
    %swap3A_111 = vector.shape_cast %div3A_107 : vector<16xf32> to vector<16xf32>
    tpu.vector_store %arg7[%swap3A_108], %swap3A_111 {strides = array<i32>} : memref<128xf32, #tpu.memory_space<vmem>>, vector<16xf32>,
    %sub3A_112 = arith.constant 1.000000e+00 : f32
    %sub3A_113 = vector.broadcast %sub3A_112 : f32 to vector<16xf32>
    %sub3A_114 = arith.subf %sub3A_113, %div3A_107 : vector<16xf32>
    %swap3A_115 = arith.constant 64 : index
    %swap3A_116 = tpu.vector_load %arg8[%swap3A_115] {strides = array<i32>} : memref<128xf32, #tpu.memory_space<vmem>>, vector<16xf32>,
    %swap3A_117 = vector.shape_cast %swap3A_116 : vector<16xf32> to vector<16xf32>
    %swap3A_118 = vector.shape_cast %sub3A_114 : vector<16xf32> to vector<16xf32>
    tpu.vector_store %arg8[%swap3A_115], %swap3A_118 {strides = array<i32>} : memref<128xf32, #tpu.memory_space<vmem>>, vector<16xf32>,
    %get3A_119 = arith.constant 80 : index
    %get3A_120 = tpu.vector_load %arg6[%get3A_119] {strides = array<i32>} : memref<128xf32, #tpu.memory_space<vmem>>, vector<16xf32>,
    %get3A_121 = vector.shape_cast %get3A_120 : vector<16xf32> to vector<16xf32>
    %neg3A_122 = arith.constant 0.000000e+00 : f32
    %neg3A_123 = vector.broadcast %neg3A_122 : f32 to vector<16xf32>
    %neg3A_124 = arith.subf %neg3A_123, %get3A_121 : vector<16xf32>
    %exp3A_125 = math.exp %neg3A_124 : vector<16xf32>
    %add3A_126 = arith.constant 1.000000e+00 : f32
    %add3A_127 = vector.broadcast %add3A_126 : f32 to vector<16xf32>
    %add3A_128 = arith.addf %add3A_127, %exp3A_125 : vector<16xf32>
    %div3A_129 = arith.constant 1.000000e+00 : f32
    %div3A_130 = vector.broadcast %div3A_129 : f32 to vector<16xf32>
    %div3A_131 = arith.divf %div3A_130, %add3A_128 : vector<16xf32>
    %swap3A_132 = arith.constant 80 : index
    %swap3A_133 = tpu.vector_load %arg7[%swap3A_132] {strides = array<i32>} : memref<128xf32, #tpu.memory_space<vmem>>, vector<16xf32>,
    %swap3A_134 = vector.shape_cast %swap3A_133 : vector<16xf32> to vector<16xf32>
    %swap3A_135 = vector.shape_cast %div3A_131 : vector<16xf32> to vector<16xf32>
    tpu.vector_store %arg7[%swap3A_132], %swap3A_135 {strides = array<i32>} : memref<128xf32, #tpu.memory_space<vmem>>, vector<16xf32>,
    %sub3A_136 = arith.constant 1.000000e+00 : f32
    %sub3A_137 = vector.broadcast %sub3A_136 : f32 to vector<16xf32>
    %sub3A_138 = arith.subf %sub3A_137, %div3A_131 : vector<16xf32>
    %swap3A_139 = arith.constant 80 : index
    %swap3A_140 = tpu.vector_load %arg8[%swap3A_139] {strides = array<i32>} : memref<128xf32, #tpu.memory_space<vmem>>, vector<16xf32>,
    %swap3A_141 = vector.shape_cast %swap3A_140 : vector<16xf32> to vector<16xf32>
    %swap3A_142 = vector.shape_cast %sub3A_138 : vector<16xf32> to vector<16xf32>
    tpu.vector_store %arg8[%swap3A_139], %swap3A_142 {strides = array<i32>} : memref<128xf32, #tpu.memory_space<vmem>>, vector<16xf32>,
    %get3A_143 = arith.constant 96 : index
    %get3A_144 = tpu.vector_load %arg6[%get3A_143] {strides = array<i32>} : memref<128xf32, #tpu.memory_space<vmem>>, vector<16xf32>,
    %get3A_145 = vector.shape_cast %get3A_144 : vector<16xf32> to vector<16xf32>
    %neg3A_146 = arith.constant 0.000000e+00 : f32
    %neg3A_147 = vector.broadcast %neg3A_146 : f32 to vector<16xf32>
    %neg3A_148 = arith.subf %neg3A_147, %get3A_145 : vector<16xf32>
    %exp3A_149 = math.exp %neg3A_148 : vector<16xf32>
    %add3A_150 = arith.constant 1.000000e+00 : f32
    %add3A_151 = vector.broadcast %add3A_150 : f32 to vector<16xf32>
    %add3A_152 = arith.addf %add3A_151, %exp3A_149 : vector<16xf32>
    %div3A_153 = arith.constant 1.000000e+00 : f32
    %div3A_154 = vector.broadcast %div3A_153 : f32 to vector<16xf32>
    %div3A_155 = arith.divf %div3A_154, %add3A_152 : vector<16xf32>
    %swap3A_156 = arith.constant 96 : index
    %swap3A_157 = tpu.vector_load %arg7[%swap3A_156] {strides = array<i32>} : memref<128xf32, #tpu.memory_space<vmem>>, vector<16xf32>,
    %swap3A_158 = vector.shape_cast %swap3A_157 : vector<16xf32> to vector<16xf32>
    %swap3A_159 = vector.shape_cast %div3A_155 : vector<16xf32> to vector<16xf32>
    tpu.vector_store %arg7[%swap3A_156], %swap3A_159 {strides = array<i32>} : memref<128xf32, #tpu.memory_space<vmem>>, vector<16xf32>,
    %sub3A_160 = arith.constant 1.000000e+00 : f32
    %sub3A_161 = vector.broadcast %sub3A_160 : f32 to vector<16xf32>
    %sub3A_162 = arith.subf %sub3A_161, %div3A_155 : vector<16xf32>
    %swap3A_163 = arith.constant 96 : index
    %swap3A_164 = tpu.vector_load %arg8[%swap3A_163] {strides = array<i32>} : memref<128xf32, #tpu.memory_space<vmem>>, vector<16xf32>,
    %swap3A_165 = vector.shape_cast %swap3A_164 : vector<16xf32> to vector<16xf32>
    %swap3A_166 = vector.shape_cast %sub3A_162 : vector<16xf32> to vector<16xf32>
    tpu.vector_store %arg8[%swap3A_163], %swap3A_166 {strides = array<i32>} : memref<128xf32, #tpu.memory_space<vmem>>, vector<16xf32>,
    %get3A_167 = arith.constant 112 : index
    %get3A_168 = tpu.vector_load %arg6[%get3A_167] {strides = array<i32>} : memref<128xf32, #tpu.memory_space<vmem>>, vector<16xf32>,
    %get3A_169 = vector.shape_cast %get3A_168 : vector<16xf32> to vector<16xf32>
    %neg3A_170 = arith.constant 0.000000e+00 : f32
    %neg3A_171 = vector.broadcast %neg3A_170 : f32 to vector<16xf32>
    %neg3A_172 = arith.subf %neg3A_171, %get3A_169 : vector<16xf32>
    %exp3A_173 = math.exp %neg3A_172 : vector<16xf32>
    %add3A_174 = arith.constant 1.000000e+00 : f32
    %add3A_175 = vector.broadcast %add3A_174 : f32 to vector<16xf32>
    %add3A_176 = arith.addf %add3A_175, %exp3A_173 : vector<16xf32>
    %div3A_177 = arith.constant 1.000000e+00 : f32
    %div3A_178 = vector.broadcast %div3A_177 : f32 to vector<16xf32>
    %div3A_179 = arith.divf %div3A_178, %add3A_176 : vector<16xf32>
    %swap3A_180 = arith.constant 112 : index
    %swap3A_181 = tpu.vector_load %arg7[%swap3A_180] {strides = array<i32>} : memref<128xf32, #tpu.memory_space<vmem>>, vector<16xf32>,
    %swap3A_182 = vector.shape_cast %swap3A_181 : vector<16xf32> to vector<16xf32>
    %swap3A_183 = vector.shape_cast %div3A_179 : vector<16xf32> to vector<16xf32>
    tpu.vector_store %arg7[%swap3A_180], %swap3A_183 {strides = array<i32>} : memref<128xf32, #tpu.memory_space<vmem>>, vector<16xf32>,
    %sub3A_184 = arith.constant 1.000000e+00 : f32
    %sub3A_185 = vector.broadcast %sub3A_184 : f32 to vector<16xf32>
    %sub3A_186 = arith.subf %sub3A_185, %div3A_179 : vector<16xf32>
    %swap3A_187 = arith.constant 112 : index
    %swap3A_188 = tpu.vector_load %arg8[%swap3A_187] {strides = array<i32>} : memref<128xf32, #tpu.memory_space<vmem>>, vector<16xf32>,
    %swap3A_189 = vector.shape_cast %swap3A_188 : vector<16xf32> to vector<16xf32>
    %swap3A_190 = vector.shape_cast %sub3A_186 : vector<16xf32> to vector<16xf32>
    tpu.vector_store %arg8[%swap3A_187], %swap3A_190 {strides = array<i32>} : memref<128xf32, #tpu.memory_space<vmem>>, vector<16xf32>,
    %run_scoped3A = arith.constant 0 : i32
    "tpu.region"() ({
      %run_scoped3A_192 = tpu.sem_alloc : memref<!tpu.dma_semaphore, #tpu.memory_space<semaphore_mem>>
      %dma_start3A_193 = tpu.memref_slice %arg4[%run_scoped3A, %mul3A_2] : memref<2x4096xf32, #tpu.memory_space<hbm>> -> memref<1x128xf32, #tpu.memory_space<hbm>>
      %dma_start3A_194 = tpu.memref_squeeze %dma_start3A_193 : memref<1x128xf32, #tpu.memory_space<hbm>> -> memref<128xf32, #tpu.memory_space<hbm>>
      %dma_start3A_195 = tpu.memref_slice %arg4[%run_scoped3A, %mul3A_2] : memref<2x4096xf32, #tpu.memory_space<hbm>> -> memref<1x128xf32, #tpu.memory_space<hbm>>
      %dma_start3A_196 = tpu.memref_squeeze %dma_start3A_195 : memref<1x128xf32, #tpu.memory_space<hbm>> -> memref<128xf32, #tpu.memory_space<hbm>>
      tpu.enqueue_dma source(%arg7 : memref<128xf32, #tpu.memory_space<vmem>>) target(%dma_start3A_196 : memref<128xf32, #tpu.memory_space<hbm>>) target_semaphore(%run_scoped3A_192 : memref<!tpu.dma_semaphore, #tpu.memory_space<semaphore_mem>>)
      %dma_wait3A_197 = tpu.memref_slice %arg4[%run_scoped3A, %mul3A_2] : memref<2x4096xf32, #tpu.memory_space<hbm>> -> memref<1x128xf32, #tpu.memory_space<hbm>>
      %dma_wait3A_198 = tpu.memref_squeeze %dma_wait3A_197 : memref<1x128xf32, #tpu.memory_space<hbm>> -> memref<128xf32, #tpu.memory_space<hbm>>
      %dma_wait3A_199 = tpu.memref_slice %arg4[%run_scoped3A, %mul3A_2] : memref<2x4096xf32, #tpu.memory_space<hbm>> -> memref<1x128xf32, #tpu.memory_space<hbm>>
      %dma_wait3A_200 = tpu.memref_squeeze %dma_wait3A_199 : memref<1x128xf32, #tpu.memory_space<hbm>> -> memref<128xf32, #tpu.memory_space<hbm>>
      tpu.wait_dma2 semaphore(%run_scoped3A_192 : memref<!tpu.dma_semaphore, #tpu.memory_space<semaphore_mem>>) src(%arg7 : memref<128xf32, #tpu.memory_space<vmem>>) dst(%dma_wait3A_200 : memref<128xf32, #tpu.memory_space<hbm>>)
      tpu.yield
    }) : () -> ()
    %run_scoped3A_191 = arith.constant 1 : i32
    "tpu.region"() ({
      %run_scoped3A_192 = tpu.sem_alloc : memref<!tpu.dma_semaphore, #tpu.memory_space<semaphore_mem>>
      %dma_start3A_193 = tpu.memref_slice %arg4[%run_scoped3A_191, %mul3A_2] : memref<2x4096xf32, #tpu.memory_space<hbm>> -> memref<1x128xf32, #tpu.memory_space<hbm>>
      %dma_start3A_194 = tpu.memref_squeeze %dma_start3A_193 : memref<1x128xf32, #tpu.memory_space<hbm>> -> memref<128xf32, #tpu.memory_space<hbm>>
      %dma_start3A_195 = tpu.memref_slice %arg4[%run_scoped3A_191, %mul3A_2] : memref<2x4096xf32, #tpu.memory_space<hbm>> -> memref<1x128xf32, #tpu.memory_space<hbm>>
      %dma_start3A_196 = tpu.memref_squeeze %dma_start3A_195 : memref<1x128xf32, #tpu.memory_space<hbm>> -> memref<128xf32, #tpu.memory_space<hbm>>
      tpu.enqueue_dma source(%arg8 : memref<128xf32, #tpu.memory_space<vmem>>) target(%dma_start3A_196 : memref<128xf32, #tpu.memory_space<hbm>>) target_semaphore(%run_scoped3A_192 : memref<!tpu.dma_semaphore, #tpu.memory_space<semaphore_mem>>)
      %dma_wait3A_197 = tpu.memref_slice %arg4[%run_scoped3A_191, %mul3A_2] : memref<2x4096xf32, #tpu.memory_space<hbm>> -> memref<1x128xf32, #tpu.memory_space<hbm>>
      %dma_wait3A_198 = tpu.memref_squeeze %dma_wait3A_197 : memref<1x128xf32, #tpu.memory_space<hbm>> -> memref<128xf32, #tpu.memory_space<hbm>>
      %dma_wait3A_199 = tpu.memref_slice %arg4[%run_scoped3A_191, %mul3A_2] : memref<2x4096xf32, #tpu.memory_space<hbm>> -> memref<1x128xf32, #tpu.memory_space<hbm>>
      %dma_wait3A_200 = tpu.memref_squeeze %dma_wait3A_199 : memref<1x128xf32, #tpu.memory_space<hbm>> -> memref<128xf32, #tpu.memory_space<hbm>>
      tpu.wait_dma2 semaphore(%run_scoped3A_192 : memref<!tpu.dma_semaphore, #tpu.memory_space<semaphore_mem>>) src(%arg8 : memref<128xf32, #tpu.memory_space<vmem>>) dst(%dma_wait3A_200 : memref<128xf32, #tpu.memory_space<hbm>>)
      tpu.yield
    }) : () -> ()
    return
  }
}

module attributes {stable_mosaic.version = 14 : i64} {
  func.func @_nn_body(%arg0: i32, %arg1: i32, %arg2: memref<68x2048xbf16, #tpu.memory_space<vmem>>, %arg3: memref<68x2048xbf16, #tpu.memory_space<vmem>>, %arg4: memref<2048xi32, #tpu.memory_space<vmem>>, %arg5: memref<2048x128xf32, #tpu.memory_space<vmem>>) attributes {dimension_semantics = [#tpu.dimension_semantics<parallel>, #tpu.dimension_semantics<arbitrary>], iteration_bounds = array<i64: 2, 49>, scalar_prefetch = 0 : i64, scratch_operands = 1 : i64, tpu.core_type = #tpu.core_type<tc>, window_params = [{transform_indices = @transform_0, window_bounds = array<i64: 68, 2048>}, {transform_indices = @transform_1, window_bounds = array<i64: 68, 2048>}, {transform_indices = @transform_2, window_bounds = array<i64: 2048>}]} {
    %get3A = arith.constant 0 : index
    %get3A_0 = arith.constant 0 : index
    %get3A_1 = vector.load %arg2[%get3A, %get3A_0] : memref<68x2048xbf16, #tpu.memory_space<vmem>>, vector<68x2048xbf16>
    %get3A_2 = arith.constant 0 : index
    %get3A_3 = arith.constant 0 : index
    %get3A_4 = vector.load %arg3[%get3A_2, %get3A_3] : memref<68x2048xbf16, #tpu.memory_space<vmem>>, vector<68x2048xbf16>
    %dot_general3A = arith.constant dense<0.000000e+00> : vector<2048x2048xf32>
    %dot_general3A_5 = tpu.matmul %get3A_1, %get3A_4, %dot_general3A {dimension_numbers = #tpu.dot_dimension_numbers<[0], [0], [1], [1], [0, 1, 1, 1], [], []>, transpose_lhs_hint = false} : vector<68x2048xbf16>, vector<68x2048xbf16>, vector<2048x2048xf32> -> vector<2048x2048xf32>
    %bitcast_convert_type3A = tpu.bitcast %dot_general3A_5 : vector<2048x2048xf32> -> vector<2048x2048xi32>
    %and3A = arith.constant -1024 : i32
    %and3A_6 = vector.broadcast %and3A : i32 to vector<2048x2048xi32>
    %and3A_7 = arith.andi %bitcast_convert_type3A, %and3A_6 : vector<2048x2048xi32>
    %mul3A = arith.constant 16 : i32
    %mul3A_8 = arith.muli %arg1, %mul3A : i32
    %slice3A = vector.extract_strided_slice %and3A_7 {offsets = [0, 0], sizes = [2048, 128], strides = [1, 1]} : vector<2048x2048xi32> to vector<2048x128xi32>
    %add3A = arith.constant 0 : i32
    %add3A_9 = arith.addi %mul3A_8, %add3A : i32
    %or3A = vector.broadcast %add3A_9 : i32 to vector<2048x128xi32>
    %or3A_10 = arith.ori %slice3A, %or3A : vector<2048x128xi32>
    %bitcast_convert_type3A_11 = tpu.bitcast %or3A_10 : vector<2048x128xi32> -> vector<2048x128xf32>
    %slice3A_12 = vector.extract_strided_slice %and3A_7 {offsets = [0, 128], sizes = [2048, 128], strides = [1, 1]} : vector<2048x2048xi32> to vector<2048x128xi32>
    %add3A_13 = arith.constant 1 : i32
    %add3A_14 = arith.addi %mul3A_8, %add3A_13 : i32
    %or3A_15 = vector.broadcast %add3A_14 : i32 to vector<2048x128xi32>
    %or3A_16 = arith.ori %slice3A_12, %or3A_15 : vector<2048x128xi32>
    %bitcast_convert_type3A_17 = tpu.bitcast %or3A_16 : vector<2048x128xi32> -> vector<2048x128xf32>
    %slice3A_18 = vector.extract_strided_slice %and3A_7 {offsets = [0, 256], sizes = [2048, 128], strides = [1, 1]} : vector<2048x2048xi32> to vector<2048x128xi32>
    %add3A_19 = arith.constant 2 : i32
    %add3A_20 = arith.addi %mul3A_8, %add3A_19 : i32
    %or3A_21 = vector.broadcast %add3A_20 : i32 to vector<2048x128xi32>
    %or3A_22 = arith.ori %slice3A_18, %or3A_21 : vector<2048x128xi32>
    %bitcast_convert_type3A_23 = tpu.bitcast %or3A_22 : vector<2048x128xi32> -> vector<2048x128xf32>
    %slice3A_24 = vector.extract_strided_slice %and3A_7 {offsets = [0, 384], sizes = [2048, 128], strides = [1, 1]} : vector<2048x2048xi32> to vector<2048x128xi32>
    %add3A_25 = arith.constant 3 : i32
    %add3A_26 = arith.addi %mul3A_8, %add3A_25 : i32
    %or3A_27 = vector.broadcast %add3A_26 : i32 to vector<2048x128xi32>
    %or3A_28 = arith.ori %slice3A_24, %or3A_27 : vector<2048x128xi32>
    %bitcast_convert_type3A_29 = tpu.bitcast %or3A_28 : vector<2048x128xi32> -> vector<2048x128xf32>
    %slice3A_30 = vector.extract_strided_slice %and3A_7 {offsets = [0, 512], sizes = [2048, 128], strides = [1, 1]} : vector<2048x2048xi32> to vector<2048x128xi32>
    %add3A_31 = arith.constant 4 : i32
    %add3A_32 = arith.addi %mul3A_8, %add3A_31 : i32
    %or3A_33 = vector.broadcast %add3A_32 : i32 to vector<2048x128xi32>
    %or3A_34 = arith.ori %slice3A_30, %or3A_33 : vector<2048x128xi32>
    %bitcast_convert_type3A_35 = tpu.bitcast %or3A_34 : vector<2048x128xi32> -> vector<2048x128xf32>
    %slice3A_36 = vector.extract_strided_slice %and3A_7 {offsets = [0, 640], sizes = [2048, 128], strides = [1, 1]} : vector<2048x2048xi32> to vector<2048x128xi32>
    %add3A_37 = arith.constant 5 : i32
    %add3A_38 = arith.addi %mul3A_8, %add3A_37 : i32
    %or3A_39 = vector.broadcast %add3A_38 : i32 to vector<2048x128xi32>
    %or3A_40 = arith.ori %slice3A_36, %or3A_39 : vector<2048x128xi32>
    %bitcast_convert_type3A_41 = tpu.bitcast %or3A_40 : vector<2048x128xi32> -> vector<2048x128xf32>
    %slice3A_42 = vector.extract_strided_slice %and3A_7 {offsets = [0, 768], sizes = [2048, 128], strides = [1, 1]} : vector<2048x2048xi32> to vector<2048x128xi32>
    %add3A_43 = arith.constant 6 : i32
    %add3A_44 = arith.addi %mul3A_8, %add3A_43 : i32
    %or3A_45 = vector.broadcast %add3A_44 : i32 to vector<2048x128xi32>
    %or3A_46 = arith.ori %slice3A_42, %or3A_45 : vector<2048x128xi32>
    %bitcast_convert_type3A_47 = tpu.bitcast %or3A_46 : vector<2048x128xi32> -> vector<2048x128xf32>
    %slice3A_48 = vector.extract_strided_slice %and3A_7 {offsets = [0, 896], sizes = [2048, 128], strides = [1, 1]} : vector<2048x2048xi32> to vector<2048x128xi32>
    %add3A_49 = arith.constant 7 : i32
    %add3A_50 = arith.addi %mul3A_8, %add3A_49 : i32
    %or3A_51 = vector.broadcast %add3A_50 : i32 to vector<2048x128xi32>
    %or3A_52 = arith.ori %slice3A_48, %or3A_51 : vector<2048x128xi32>
    %bitcast_convert_type3A_53 = tpu.bitcast %or3A_52 : vector<2048x128xi32> -> vector<2048x128xf32>
    %slice3A_54 = vector.extract_strided_slice %and3A_7 {offsets = [0, 1024], sizes = [2048, 128], strides = [1, 1]} : vector<2048x2048xi32> to vector<2048x128xi32>
    %add3A_55 = arith.constant 8 : i32
    %add3A_56 = arith.addi %mul3A_8, %add3A_55 : i32
    %or3A_57 = vector.broadcast %add3A_56 : i32 to vector<2048x128xi32>
    %or3A_58 = arith.ori %slice3A_54, %or3A_57 : vector<2048x128xi32>
    %bitcast_convert_type3A_59 = tpu.bitcast %or3A_58 : vector<2048x128xi32> -> vector<2048x128xf32>
    %slice3A_60 = vector.extract_strided_slice %and3A_7 {offsets = [0, 1152], sizes = [2048, 128], strides = [1, 1]} : vector<2048x2048xi32> to vector<2048x128xi32>
    %add3A_61 = arith.constant 9 : i32
    %add3A_62 = arith.addi %mul3A_8, %add3A_61 : i32
    %or3A_63 = vector.broadcast %add3A_62 : i32 to vector<2048x128xi32>
    %or3A_64 = arith.ori %slice3A_60, %or3A_63 : vector<2048x128xi32>
    %bitcast_convert_type3A_65 = tpu.bitcast %or3A_64 : vector<2048x128xi32> -> vector<2048x128xf32>
    %slice3A_66 = vector.extract_strided_slice %and3A_7 {offsets = [0, 1280], sizes = [2048, 128], strides = [1, 1]} : vector<2048x2048xi32> to vector<2048x128xi32>
    %add3A_67 = arith.constant 10 : i32
    %add3A_68 = arith.addi %mul3A_8, %add3A_67 : i32
    %or3A_69 = vector.broadcast %add3A_68 : i32 to vector<2048x128xi32>
    %or3A_70 = arith.ori %slice3A_66, %or3A_69 : vector<2048x128xi32>
    %bitcast_convert_type3A_71 = tpu.bitcast %or3A_70 : vector<2048x128xi32> -> vector<2048x128xf32>
    %slice3A_72 = vector.extract_strided_slice %and3A_7 {offsets = [0, 1408], sizes = [2048, 128], strides = [1, 1]} : vector<2048x2048xi32> to vector<2048x128xi32>
    %add3A_73 = arith.constant 11 : i32
    %add3A_74 = arith.addi %mul3A_8, %add3A_73 : i32
    %or3A_75 = vector.broadcast %add3A_74 : i32 to vector<2048x128xi32>
    %or3A_76 = arith.ori %slice3A_72, %or3A_75 : vector<2048x128xi32>
    %bitcast_convert_type3A_77 = tpu.bitcast %or3A_76 : vector<2048x128xi32> -> vector<2048x128xf32>
    %slice3A_78 = vector.extract_strided_slice %and3A_7 {offsets = [0, 1536], sizes = [2048, 128], strides = [1, 1]} : vector<2048x2048xi32> to vector<2048x128xi32>
    %add3A_79 = arith.constant 12 : i32
    %add3A_80 = arith.addi %mul3A_8, %add3A_79 : i32
    %or3A_81 = vector.broadcast %add3A_80 : i32 to vector<2048x128xi32>
    %or3A_82 = arith.ori %slice3A_78, %or3A_81 : vector<2048x128xi32>
    %bitcast_convert_type3A_83 = tpu.bitcast %or3A_82 : vector<2048x128xi32> -> vector<2048x128xf32>
    %slice3A_84 = vector.extract_strided_slice %and3A_7 {offsets = [0, 1664], sizes = [2048, 128], strides = [1, 1]} : vector<2048x2048xi32> to vector<2048x128xi32>
    %add3A_85 = arith.constant 13 : i32
    %add3A_86 = arith.addi %mul3A_8, %add3A_85 : i32
    %or3A_87 = vector.broadcast %add3A_86 : i32 to vector<2048x128xi32>
    %or3A_88 = arith.ori %slice3A_84, %or3A_87 : vector<2048x128xi32>
    %bitcast_convert_type3A_89 = tpu.bitcast %or3A_88 : vector<2048x128xi32> -> vector<2048x128xf32>
    %slice3A_90 = vector.extract_strided_slice %and3A_7 {offsets = [0, 1792], sizes = [2048, 128], strides = [1, 1]} : vector<2048x2048xi32> to vector<2048x128xi32>
    %add3A_91 = arith.constant 14 : i32
    %add3A_92 = arith.addi %mul3A_8, %add3A_91 : i32
    %or3A_93 = vector.broadcast %add3A_92 : i32 to vector<2048x128xi32>
    %or3A_94 = arith.ori %slice3A_90, %or3A_93 : vector<2048x128xi32>
    %bitcast_convert_type3A_95 = tpu.bitcast %or3A_94 : vector<2048x128xi32> -> vector<2048x128xf32>
    %slice3A_96 = vector.extract_strided_slice %and3A_7 {offsets = [0, 1920], sizes = [2048, 128], strides = [1, 1]} : vector<2048x2048xi32> to vector<2048x128xi32>
    %add3A_97 = arith.constant 15 : i32
    %add3A_98 = arith.addi %mul3A_8, %add3A_97 : i32
    %or3A_99 = vector.broadcast %add3A_98 : i32 to vector<2048x128xi32>
    %or3A_100 = arith.ori %slice3A_96, %or3A_99 : vector<2048x128xi32>
    %bitcast_convert_type3A_101 = tpu.bitcast %or3A_100 : vector<2048x128xi32> -> vector<2048x128xf32>
    %min3A = arith.minimumf %bitcast_convert_type3A_11, %bitcast_convert_type3A_17 : vector<2048x128xf32>
    %min3A_102 = arith.minimumf %bitcast_convert_type3A_23, %bitcast_convert_type3A_29 : vector<2048x128xf32>
    %min3A_103 = arith.minimumf %bitcast_convert_type3A_35, %bitcast_convert_type3A_41 : vector<2048x128xf32>
    %min3A_104 = arith.minimumf %bitcast_convert_type3A_47, %bitcast_convert_type3A_53 : vector<2048x128xf32>
    %min3A_105 = arith.minimumf %bitcast_convert_type3A_59, %bitcast_convert_type3A_65 : vector<2048x128xf32>
    %min3A_106 = arith.minimumf %bitcast_convert_type3A_71, %bitcast_convert_type3A_77 : vector<2048x128xf32>
    %min3A_107 = arith.minimumf %bitcast_convert_type3A_83, %bitcast_convert_type3A_89 : vector<2048x128xf32>
    %min3A_108 = arith.minimumf %bitcast_convert_type3A_95, %bitcast_convert_type3A_101 : vector<2048x128xf32>
    %min3A_109 = arith.minimumf %min3A, %min3A_102 : vector<2048x128xf32>
    %min3A_110 = arith.minimumf %min3A_103, %min3A_104 : vector<2048x128xf32>
    %min3A_111 = arith.minimumf %min3A_105, %min3A_106 : vector<2048x128xf32>
    %min3A_112 = arith.minimumf %min3A_107, %min3A_108 : vector<2048x128xf32>
    %min3A_113 = arith.minimumf %min3A_109, %min3A_110 : vector<2048x128xf32>
    %min3A_114 = arith.minimumf %min3A_111, %min3A_112 : vector<2048x128xf32>
    %min3A_115 = arith.minimumf %min3A_113, %min3A_114 : vector<2048x128xf32>
    %eq3A = arith.constant 0 : i32
    %eq3A_116 = arith.cmpi eq, %arg1, %eq3A : i32
    %convert_element_type3A = arith.extui %eq3A_116 : i1 to i32
    %cond3A = arith.constant 0 : i32
    %cond3A_117 = arith.cmpi ne, %convert_element_type3A, %cond3A : i32
    scf.if %cond3A_117 {
      %swap3A = arith.constant 0 : index
      %swap3A_127 = arith.constant 0 : index
      %swap3A_128 = vector.load %arg5[%swap3A, %swap3A_127] : memref<2048x128xf32, #tpu.memory_space<vmem>>, vector<2048x128xf32>
      tpu.vector_store %arg5[%swap3A, %swap3A_127], %min3A_115 {strides = array<i32>} : memref<2048x128xf32, #tpu.memory_space<vmem>>, vector<2048x128xf32>,
    } else {
    }
    %gt3A = arith.constant 0 : i32
    %gt3A_118 = arith.cmpi sgt, %arg1, %gt3A : i32
    %convert_element_type3A_119 = arith.extui %gt3A_118 : i1 to i32
    %cond3A_120 = arith.constant 0 : i32
    %cond3A_121 = arith.cmpi ne, %convert_element_type3A_119, %cond3A_120 : i32
    scf.if %cond3A_121 {
      %get3A_127 = arith.constant 0 : index
      %get3A_128 = arith.constant 0 : index
      %get3A_129 = vector.load %arg5[%get3A_127, %get3A_128] : memref<2048x128xf32, #tpu.memory_space<vmem>>, vector<2048x128xf32>
      %min3A_130 = arith.minimumf %get3A_129, %min3A_115 : vector<2048x128xf32>
      %swap3A = arith.constant 0 : index
      %swap3A_131 = arith.constant 0 : index
      %swap3A_132 = vector.load %arg5[%swap3A, %swap3A_131] : memref<2048x128xf32, #tpu.memory_space<vmem>>, vector<2048x128xf32>
      tpu.vector_store %arg5[%swap3A, %swap3A_131], %min3A_130 {strides = array<i32>} : memref<2048x128xf32, #tpu.memory_space<vmem>>, vector<2048x128xf32>,
    } else {
    }
    %eq3A_122 = arith.constant 48 : i32
    %eq3A_123 = arith.cmpi eq, %arg1, %eq3A_122 : i32
    %convert_element_type3A_124 = arith.extui %eq3A_123 : i1 to i32
    %cond3A_125 = arith.constant 0 : i32
    %cond3A_126 = arith.cmpi ne, %convert_element_type3A_124, %cond3A_125 : i32
    scf.if %cond3A_126 {
      %get3A_127 = arith.constant 0 : index
      %get3A_128 = arith.constant 0 : index
      %get3A_129 = vector.load %arg5[%get3A_127, %get3A_128] : memref<2048x128xf32, #tpu.memory_space<vmem>>, vector<2048x128xf32>
      %reduce_min3A = arith.constant dense<0x7F800000> : vector<2048xf32>
      %reduce_min3A_130 = vector.multi_reduction <minimumf>, %get3A_129, %reduce_min3A [1] : vector<2048x128xf32> to vector<2048xf32>
      %broadcast_in_dim3A = vector.shape_cast %reduce_min3A_130 : vector<2048xf32> to vector<2048x1xf32>
      %iota3A = tpu.iota {dimensions = array<i32: 1>} : vector<2048x128xi32>
      %eq3A_131 = vector.broadcast %broadcast_in_dim3A : vector<2048x1xf32> to vector<2048x128xf32>
      %eq3A_132 = arith.cmpf oeq, %get3A_129, %eq3A_131 : vector<2048x128xf32>
      %jit3A = arith.constant 127 : i32
      %broadcast_in_dim3A_133 = vector.broadcast %jit3A : i32 to vector<2048x128xi32>
      %select_n3A = arith.select %eq3A_132, %iota3A, %broadcast_in_dim3A_133 : vector<2048x128xi1>, vector<2048x128xi32>
      %reduce_min3A_134 = arith.constant dense<2147483647> : vector<2048xi32>
      %reduce_min3A_135 = vector.multi_reduction <minsi>, %select_n3A, %reduce_min3A_134 [1] : vector<2048x128xi32> to vector<2048xi32>
      %broadcast_in_dim3A_136 = vector.shape_cast %reduce_min3A_135 : vector<2048xi32> to vector<2048x1xi32>
      %bitcast_convert_type3A_137 = tpu.bitcast %broadcast_in_dim3A : vector<2048x1xf32> -> vector<2048x1xi32>
      %and3A_138 = arith.constant 1023 : i32
      %and3A_139 = vector.broadcast %and3A_138 : i32 to vector<2048x1xi32>
      %and3A_140 = arith.andi %bitcast_convert_type3A_137, %and3A_139 : vector<2048x1xi32>
      %mul3A_141 = arith.constant 128 : i32
      %mul3A_142 = vector.broadcast %mul3A_141 : i32 to vector<2048x1xi32>
      %mul3A_143 = arith.muli %and3A_140, %mul3A_142 : vector<2048x1xi32>
      %add3A_144 = arith.addi %mul3A_143, %broadcast_in_dim3A_136 : vector<2048x1xi32>
      %squeeze3A = vector.shape_cast %add3A_144 : vector<2048x1xi32> to vector<2048xi32>
      %swap3A = arith.constant 0 : index
      %swap3A_145 = vector.load %arg4[%swap3A] : memref<2048xi32, #tpu.memory_space<vmem>>, vector<2048xi32>
      tpu.vector_store %arg4[%swap3A], %squeeze3A {strides = array<i32>} : memref<2048xi32, #tpu.memory_space<vmem>>, vector<2048xi32>,
    } else {
    }
    return
  }
  func.func @transform_0(%arg0: i32, %arg1: i32) -> (i32, i32) {
    %c0_i32 = arith.constant 0 : i32
    %c0_i32_0 = arith.constant 0 : i32
    return %c0_i32, %arg0 : i32, i32
  }
  func.func @transform_1(%arg0: i32, %arg1: i32) -> (i32, i32) {
    %c0_i32 = arith.constant 0 : i32
    %c0_i32_0 = arith.constant 0 : i32
    return %c0_i32, %arg1 : i32, i32
  }
  func.func @transform_2(%arg0: i32, %arg1: i32) -> i32 {
    %c0_i32 = arith.constant 0 : i32
    return %arg0 : i32
  }
}

module attributes {stable_mosaic.version = 14 : i64} {
  func.func @_prep_body(%arg0: i32, %arg1: memref<2048x64xf32, #tpu.memory_space<vmem>>, %arg2: memref<2048x64xf32, #tpu.memory_space<vmem>>, %arg3: memref<68x2048xbf16, #tpu.memory_space<vmem>>, %arg4: memref<68x2048xbf16, #tpu.memory_space<vmem>>) attributes {dimension_semantics = [#tpu.dimension_semantics<arbitrary>], iteration_bounds = array<i64: 49>, scalar_prefetch = 0 : i64, scratch_operands = 0 : i64, tpu.core_type = #tpu.core_type<tc>, window_params = [{transform_indices = @transform_0, window_bounds = array<i64: 2048, 64>}, {transform_indices = @transform_1, window_bounds = array<i64: 2048, 64>}, {transform_indices = @transform_2, window_bounds = array<i64: 68, 2048>}, {transform_indices = @transform_3, window_bounds = array<i64: 68, 2048>}]} {
    %get3A = arith.constant 0 : index
    %get3A_0 = arith.constant 0 : index
    %get3A_1 = vector.load %arg1[%get3A, %get3A_0] : memref<2048x64xf32, #tpu.memory_space<vmem>>, vector<2048x64xf32>
    %transpose3A = tpu.transpose %get3A_1, [1, 0] : vector<2048x64xf32> -> vector<64x2048xf32>
    %mul3A = arith.constant 2048 : i32
    %mul3A_2 = arith.muli %arg0, %mul3A : i32
    %iota3A = tpu.iota {dimensions = array<i32: 1>} : vector<1x2048xi32>
    %add3A = vector.broadcast %mul3A_2 : i32 to vector<1x2048xi32>
    %add3A_3 = arith.addi %add3A, %iota3A : vector<1x2048xi32>
    %lt3A = arith.constant 100000 : i32
    %lt3A_4 = vector.broadcast %lt3A : i32 to vector<1x2048xi32>
    %lt3A_5 = arith.cmpi slt, %add3A_3, %lt3A_4 : vector<1x2048xi32>
    %jit3A = arith.constant 0.000000e+00 : f32
    %broadcast_in_dim3A = vector.shape_cast %lt3A_5 : vector<1x2048xi1> to vector<1x2048xi1>
    %broadcast_in_dim3A_6 = vector.broadcast %broadcast_in_dim3A : vector<1x2048xi1> to vector<64x2048xi1>
    %broadcast_in_dim3A_7 = vector.broadcast %jit3A : f32 to vector<64x2048xf32>
    %select_n3A = arith.select %broadcast_in_dim3A_6, %transpose3A, %broadcast_in_dim3A_7 : vector<64x2048xi1>, vector<64x2048xf32>
    %broadcast_in_dim3A_8 = arith.constant 1.000000e+00 : f32
    %broadcast_in_dim3A_9 = vector.broadcast %broadcast_in_dim3A_8 : f32 to vector<1x64xf32>
    %mul3A_10 = arith.mulf %select_n3A, %select_n3A : vector<64x2048xf32>
    %dot_general3A = arith.constant dense<0.000000e+00> : vector<1x2048xf32>
    %dot_general3A_11 = tpu.matmul %broadcast_in_dim3A_9, %mul3A_10, %dot_general3A {dimension_numbers = #tpu.dot_dimension_numbers<[1], [0], [0], [1], [0, 0, 1, 1], [], []>, transpose_lhs_hint = false} : vector<1x64xf32>, vector<64x2048xf32>, vector<1x2048xf32> -> vector<1x2048xf32>
    %jit3A_12 = arith.constant 1.000000e+09 : f32
    %broadcast_in_dim3A_13 = vector.broadcast %jit3A_12 : f32 to vector<1x2048xf32>
    %select_n3A_14 = arith.select %lt3A_5, %dot_general3A_11, %broadcast_in_dim3A_13 : vector<1x2048xi1>, vector<1x2048xf32>
    %convert_element_type3A = arith.truncf %select_n3A_14 : vector<1x2048xf32> to vector<1x2048xbf16>
    %convert_element_type3A_15 = arith.extf %convert_element_type3A : vector<1x2048xbf16> to vector<1x2048xf32>
    %sub3A = arith.subf %select_n3A_14, %convert_element_type3A_15 : vector<1x2048xf32>
    %convert_element_type3A_16 = arith.truncf %sub3A : vector<1x2048xf32> to vector<1x2048xbf16>
    %broadcast_in_dim3A_17 = arith.constant 1.000000e+00 : bf16
    %broadcast_in_dim3A_18 = vector.broadcast %broadcast_in_dim3A_17 : bf16 to vector<1x2048xbf16>
    %convert_element_type3A_19 = arith.truncf %select_n3A : vector<64x2048xf32> to vector<64x2048xbf16>
    %concatenate3A = tpu.concatenate %convert_element_type3A_19, %convert_element_type3A, %convert_element_type3A_16, %broadcast_in_dim3A_18, %broadcast_in_dim3A_18 in 0 : vector<64x2048xbf16>, vector<1x2048xbf16>, vector<1x2048xbf16>, vector<1x2048xbf16>, vector<1x2048xbf16> -> vector<68x2048xbf16>
    %swap3A = arith.constant 0 : index
    %swap3A_20 = arith.constant 0 : index
    %swap3A_21 = vector.load %arg3[%swap3A, %swap3A_20] : memref<68x2048xbf16, #tpu.memory_space<vmem>>, vector<68x2048xbf16>
    tpu.vector_store %arg3[%swap3A, %swap3A_20], %concatenate3A {strides = array<i32>} : memref<68x2048xbf16, #tpu.memory_space<vmem>>, vector<68x2048xbf16>,
    %get3A_22 = arith.constant 0 : index
    %get3A_23 = arith.constant 0 : index
    %get3A_24 = vector.load %arg2[%get3A_22, %get3A_23] : memref<2048x64xf32, #tpu.memory_space<vmem>>, vector<2048x64xf32>
    %transpose3A_25 = tpu.transpose %get3A_24, [1, 0] : vector<2048x64xf32> -> vector<64x2048xf32>
    %mul3A_26 = arith.mulf %transpose3A_25, %transpose3A_25 : vector<64x2048xf32>
    %dot_general3A_27 = arith.constant dense<0.000000e+00> : vector<1x2048xf32>
    %dot_general3A_28 = tpu.matmul %broadcast_in_dim3A_9, %mul3A_26, %dot_general3A_27 {dimension_numbers = #tpu.dot_dimension_numbers<[1], [0], [0], [1], [0, 0, 1, 1], [], []>, transpose_lhs_hint = false} : vector<1x64xf32>, vector<64x2048xf32>, vector<1x2048xf32> -> vector<1x2048xf32>
    %convert_element_type3A_29 = arith.truncf %dot_general3A_28 : vector<1x2048xf32> to vector<1x2048xbf16>
    %convert_element_type3A_30 = arith.extf %convert_element_type3A_29 : vector<1x2048xbf16> to vector<1x2048xf32>
    %sub3A_31 = arith.subf %dot_general3A_28, %convert_element_type3A_30 : vector<1x2048xf32>
    %convert_element_type3A_32 = arith.truncf %sub3A_31 : vector<1x2048xf32> to vector<1x2048xbf16>
    %broadcast_in_dim3A_33 = arith.constant 1.000000e+00 : bf16
    %broadcast_in_dim3A_34 = vector.broadcast %broadcast_in_dim3A_33 : bf16 to vector<1x2048xbf16>
    %mul3A_35 = arith.constant -2.000000e+00 : f32
    %mul3A_36 = vector.broadcast %mul3A_35 : f32 to vector<64x2048xf32>
    %mul3A_37 = arith.mulf %transpose3A_25, %mul3A_36 : vector<64x2048xf32>
    %convert_element_type3A_38 = arith.truncf %mul3A_37 : vector<64x2048xf32> to vector<64x2048xbf16>
    %concatenate3A_39 = tpu.concatenate %convert_element_type3A_38, %broadcast_in_dim3A_34, %broadcast_in_dim3A_34, %convert_element_type3A_29, %convert_element_type3A_32 in 0 : vector<64x2048xbf16>, vector<1x2048xbf16>, vector<1x2048xbf16>, vector<1x2048xbf16>, vector<1x2048xbf16> -> vector<68x2048xbf16>
    %swap3A_40 = arith.constant 0 : index
    %swap3A_41 = arith.constant 0 : index
    %swap3A_42 = vector.load %arg4[%swap3A_40, %swap3A_41] : memref<68x2048xbf16, #tpu.memory_space<vmem>>, vector<68x2048xbf16>
    tpu.vector_store %arg4[%swap3A_40, %swap3A_41], %concatenate3A_39 {strides = array<i32>} : memref<68x2048xbf16, #tpu.memory_space<vmem>>, vector<68x2048xbf16>,
    return
  }
  func.func @transform_0(%arg0: i32) -> (i32, i32) {
    %c0_i32 = arith.constant 0 : i32
    %c0_i32_0 = arith.constant 0 : i32
    return %arg0, %c0_i32 : i32, i32
  }
  func.func @transform_1(%arg0: i32) -> (i32, i32) {
    %min3A = arith.constant 1 : i32
    %min3A_0 = arith.minsi %arg0, %min3A : i32
    %c0_i32 = arith.constant 0 : i32
    %c0_i32_1 = arith.constant 0 : i32
    return %min3A_0, %c0_i32 : i32, i32
  }
  func.func @transform_2(%arg0: i32) -> (i32, i32) {
    %c0_i32 = arith.constant 0 : i32
    %c0_i32_0 = arith.constant 0 : i32
    return %c0_i32, %arg0 : i32, i32
  }
  func.func @transform_3(%arg0: i32) -> (i32, i32) {
    %min3A = arith.constant 1 : i32
    %min3A_0 = arith.minsi %arg0, %min3A : i32
    %c0_i32 = arith.constant 0 : i32
    %c0_i32_1 = arith.constant 0 : i32
    return %c0_i32, %min3A_0 : i32, i32
  }
}

</mosaic_0001>

<sc_bundles>
// kernel: kernel.5.cloned.1.call-start
scs
__scs_entry_jumppad:
0x0: {  	(pc) =	sbr.rel $0x88, $3  }
0x1: {  	(tag) =	ssettag $0x0;
	lr =	simm.s32 $0x1  }
0x2: {  	[smem:$0x3F9E] =	sst lr;
	_ =	strace $0xD0000000  }
0x3: {  	_ = 	snop  }
0x4: {  	_ = 	snop  }
0x5: {  	_ = 	snop  }
0x6: {  	_ = 	snop  }
0x7: {  	_ = 	snop  }
__scs_overlays_trampoline_lowered:
0x8: {  	[smem:$0x3FAD] =	sst s0  }
0x9: {  	[smem:$0x3FAE] =	sst s1  }
0xa: {  	[smem:$0x3FAF] =	sst s2  }
0xb: {  	[smem:$0x3FB0] =	sst s3  }
0xc: {  	[smem:$0x3FB1] =	sst s4  }
0xd: {  	[smem:$0x3FB2] =	sst s5  }
0xe: {  	[smem:$0x3FB3] =	sst s6  }
0xf: {  	[smem:$0x3FB4] =	sst s7  }
0x10: {  	[smem:$0x3FB5] =	sst s8  }
0x11: {  	[smem:$0x3FB6] =	sst s9;
	s0 =	simm.s32 @!p0 $0x0  }
0x12: {  	s1 =	sld [smem:$0x3F9C];
	s0 =	simm.s32 @p0 $0x1  }
0x13: {  	[smem:$0x3FB7] =	sst s0;
	s0 =	simm.s32 @!p1 $0x0  }
0x14: {  	s2 =	sld [smem:$0x3F9B];
	s0 =	simm.s32 @p1 $0x1  }
0x15: {  	[smem:$0x3FB8] =	sst s0;
	s0 =	simm.s32 @!p2 $0x0  }
0x16: {  	s3 =	sld [smem:$0x3FDB];
	s0 =	simm.s32 @p2 $0x1  }
0x17: {  	s4 =	simm.s32 $0x1BF5;
	[smem:$0x3FBA] =	sst s0  }
0x18: {  	s0 =	sld [smem:$0x3F9D];
	_ =	swait.ge [sflag:s4], $0x0  }
0x19: {  	s7 =	sld [smem:$0x3F9E]  }
0x1a: {  	s8 =	sadd.s32 $0xFFFFE003, lr  }
0x1b: {  	s9 =	sadd.s32 $0xFFFFFEF7, lr;
	s5 =	simm.s32 $0xFFFFFFFF;
	p2 =	slt.u32 s8, $0xFFFFF086  }
0x1c: {  	p1 =	slt.u32 s9, $0xF7A;
	s5 =	simm.s32 @!p2 $0x0  }
0x1d: {  	s5 =	simm.s32 @p1 $0x1;
	p0 =	seq.s32 s7, s2  }
0x1e: {  	s7 =	smul.u32 @!p0 $0xF7A, s2;
	p2 =	seq.s32 @!p0 s5, $0x0  }
0x1f: {  	s9 =	smul.u32 $0xF7A, s1;
	s8 =	simm.s32 @!p0 $0x1BF5;
	p2 =	por !p2, p0  }
0x20: {  	[sflag:s8] =	ssyncset.s32 @!p0 $0xFFFFF086;
	s6 =	sadd.s32 @!p0 s3, s7;
	s7 =	simm.s32 @!p0 $0x108  }
0x21: {  	s3 =	sadd.s32 s3, s9;
	s6 =	sadd.s32 @!p0 $0x88, s6;
	s7 =	simm.s32 @p2 $0x1082  }
0x22: {  	[simem:s7], [sflag:s8] =	dma.local @!p0 [hbm:s6], $0xF7A  }
0x23: {  	s9 =	sor.u32 $0xD0000000, s2;
	s6 =	simm.s32 $0x108;
	_ =	swait.ge @!p0 [sflag:s8], $0x0  }
0x24: {  	s3 =	sadd.s32 $0x88, s3;
	s6 =	simm.s32 @!p1 $0x1082;
	[sflag:s4] =	ssyncset.s32 $0xFFFFF086  }
0x25: {  	[simem:s6], [sflag:s4] =	dma.local [hbm:s3], $0xF7A  }
0x26: {  	[smem:$0x3F9E] =	sst s1;
	(tag) =	ssettag s2;
	_ =	strace s9  }
0x27: {  	s1 =	sld [smem:$0x3FAE]  }
0x28: {  	s2 =	sld [smem:$0x3FAF]  }
0x29: {  	s4 =	sld [smem:$0x3FB1]  }
0x2a: {  	p0 =	seq.s32 s5, $0x0;
	s5 =	sld [smem:$0x3FB2]  }
0x2b: {  	s6 =	sld [smem:$0x3FB3]  }
0x2c: {  	s7 =	sld [smem:$0x3FB4]  }
0x2d: {  	s3 =	simm.s32 $0x108;
	s8 =	sld [smem:$0x3FB5]  }
0x2e: {  	s3 =	simm.s32 @!p0 $0x1082;
	s9 =	sld [smem:$0x3FB6]  }
0x2f: {  	lr =	sadd.s32 s0, s3;
	s0 =	sld [smem:$0x3FAD]  }
0x30: {  	s3 =	sld [smem:$0x3FB0]  }
0x31: {  	[smem:$0x3FB9] =	sst s10  }
0x32: {  	s10 =	sld [smem:$0x3FB7];
	_ =	sdelay $0x3  }
0x33: {  	p0 =	seq.s32 s10, $0x1;
	s10 =	sld [smem:$0x3FB9];
	_ =	sdelay $0x3  }
0x34: {  	[smem:$0x3FB9] =	sst s10  }
0x35: {  	s10 =	sld [smem:$0x3FB8];
	_ =	sdelay $0x3  }
0x36: {  	p1 =	seq.s32 s10, $0x1;
	s10 =	sld [smem:$0x3FB9];
	_ =	sdelay $0x3  }
0x37: {  	[smem:$0x3FB9] =	sst s10  }
0x38: {  	s10 =	sld [smem:$0x3FBA]  }
0x39: {  	_ = 	snop;
	(pc) =	sbr.ind lr, $3  }
0x3a: {  	_ = 	snop  }
0x3b: {  	_ = 	snop  }
0x3c: {  	p2 =	seq.s32 s10, $0x1;
	s10 =	sld [smem:$0x3FB9]  }
0x3d: {  	_ =	shalt  }
0x3e: {  	_ =	shalt  }
0x3f: {  	_ =	shalt  }
0x40: {  	_ =	shalt  }
0x41: {  	_ =	shalt  }
0x42: {  	_ =	shalt  }
0x43: {  	_ =	shalt  }
0x44: {  	_ =	shalt  }
0x45: {  	_ =	shalt  }
0x46: {  	_ =	shalt  }
0x47: {  	_ =	shalt  }
0x48: {  	_ =	shalt  }
0x49: {  	_ =	shalt  }
0x4a: {  	_ =	shalt  }
0x4b: {  	_ =	shalt  }
0x4c: {  	_ =	shalt  }
0x4d: {  	_ =	shalt  }
0x4e: {  	_ =	shalt  }
0x4f: {  	_ =	shalt  }
0x50: {  	_ =	shalt  }
0x51: {  	_ =	shalt  }
0x52: {  	_ =	shalt  }
0x53: {  	_ =	shalt  }
0x54: {  	_ =	shalt  }
0x55: {  	_ =	shalt  }
0x56: {  	_ =	shalt  }
0x57: {  	_ =	shalt  }
0x58: {  	_ =	shalt  }
0x59: {  	_ =	shalt  }
0x5a: {  	_ =	shalt  }
0x5b: {  	_ =	shalt  }
0x5c: {  	_ =	shalt  }
0x5d: {  	_ =	shalt  }
0x5e: {  	_ =	shalt  }
0x5f: {  	_ =	shalt  }
0x60: {  	_ =	shalt  }
0x61: {  	_ =	shalt  }
0x62: {  	_ =	shalt  }
0x63: {  	_ =	shalt  }
0x64: {  	_ =	shalt  }
0x65: {  	_ =	shalt  }
0x66: {  	_ =	shalt  }
0x67: {  	_ =	shalt  }
0x68: {  	_ =	shalt  }
0x69: {  	_ =	shalt  }
0x6a: {  	_ =	shalt  }
0x6b: {  	_ =	shalt  }
0x6c: {  	_ =	shalt  }
0x6d: {  	_ =	shalt  }
0x6e: {  	_ =	shalt  }
0x6f: {  	_ =	shalt  }
0x70: {  	_ =	shalt  }
0x71: {  	_ =	shalt  }
0x72: {  	_ =	shalt  }
0x73: {  	_ =	shalt  }
0x74: {  	_ =	shalt  }
0x75: {  	_ =	shalt  }
0x76: {  	_ =	shalt  }
0x77: {  	_ =	shalt  }
0x78: {  	_ =	shalt  }
0x79: {  	_ =	shalt  }
0x7a: {  	_ =	shalt  }
0x7b: {  	_ =	shalt  }
0x7c: {  	_ =	shalt  }
0x7d: {  	_ =	shalt  }
0x7e: {  	_ =	shalt  }
0x7f: {  	_ =	shalt  }
0x80: {  	_ =	shalt  }
0x81: {  	_ =	shalt  }
0x82: {  	_ =	shalt  }
0x83: {  	_ =	shalt  }
0x84: {  	_ =	shalt  }
0x85: {  	_ =	shalt  }
0x86: {  	_ =	shalt  }
0x87: {  	_ =	shalt  }
.Lfunc_end0:
.L_simem_size_0:
called_computation_lowered:
.L_overlay_start_0:
0x88: {  	s2 =	sld [smem:$0x3FD9]  }
0x89: {  	s3 =	sld [smem:$0x3FFE];
	_ =	sdelay $0x1  }
0x8a: {  	s1 =	srdreg.scid  }
0x8b: {  	s0 =	sand.u32 $0x1, s1  }
0x8c: {  	s17 =	sshll.u32 s0, $0xA;
	s2 =	sadd.s32 s3, s2  }
0x8d: {  	s2 =	sadd.s32 s2, s17  }
0x8e: {  	[smem:$0x3FC5] =	sst s2  }
0x8f: {  	_ = 	snop  }
0x90: {  	s2 =	sld [smem:$0x3FD0];
	(tm) =	ssettm $0x1  }
0x91: {  	s18 =	sld [smem:$0x3FFB];
	_ =	sdelay $0x3  }
0x92: {  	_ =	strace s18  }
0x93: {  	s3 =	sld [smem:$0x3FFC];
	_ =	sdelay $0x3  }
0x94: {  	_ =	strace s3  }
0x95: {  	s3 =	sld [smem:$0x3FFD];
	_ =	sdelay $0x3  }
0x96: {  	_ =	strace s3  }
0x97: {  	_ =	strace $0x8FFFFFFF  }
0x98: {  	s19 =	sld [smem:$0x3FDB];
	_ =	sdelay $0x1  }
0x99: {  	s4 =	simm.s32 $_scs_section_size  }
0x9a: {  	s5 =	simm.s32 $_size__tile_overlayer_lowered;
	s6 =	simm.s32 $_tile_overlayer_lowered  }
0x9b: {  	s22 =	simm.s32 $0x1BFF;
	s21 =	sshll.u32 s6, $0x1;
	s3 =	sadd.s32 s4, s19  }
0x9c: {  	s7 =	simm.s32 $0x0;
	s20 =	sshll.u32 s5, $0x1;
	s5 =	sadd.s32 s21, s3  }
0x9d: {  	[timem:s7], [sflag:s22] =	dma.local [hbm:s5], s20  }
0x9e: {  	_ =	swait.ge [sflag:s22], s20  }
0x9f: {  	s4 =	ssub.s32 $0x0, s20;
	[sflag:s22] =	ssyncset.done $0x0  }
0xa0: {  	[sflag:s22] =	ssyncadd.s32 s4;
	_ =	sdelay $0x1  }
0xa1: {  	s23 =	simm.s32 $0x1B8B  }
0xa2: {  	_ =	swait.ge [sflag:s23], $0x1  }
0xa3: {  	[sflag:s23] =	ssyncset.done $0x0  }
0xa4: {  	s25 =	simm.s32 $0x1B8E;
	s24 =	sld [smem:$0x3FFE];
	[sflag:s23] =	ssyncadd.s32 $0xFFFFFFFF  }
0xa5: {  	s26 =	simm.s32 $execute0_lowered;
	[smem:$0x3FD2] =	sst s25  }
0xa6: {  	s5 =	sshll.u32 s26, $0x1;
	_ =	strace $0x80000046;
	[dreg:$0x1] =	wrdreg $0xFFFFFFFF  }
0xa7: {  	s28 =	simm.s32 $_size_execute0_lowered;
	s3 =	sadd.s32 s3, s5;
	[dreg:$0x0] =	wrdreg $0x0  }
0xa8: {  	s5 =	sshll.u32 s28, $0x1;
	[dreg:$0x2] =	wrdreg s3  }
0xa9: {  	[dreg:$0x3] =	wrdreg s5  }
0xaa: {  	[dreg:$0x4] =	wrdreg $0xC0  }
0xab: {  	_ =	task [dreg:s7], $0x5FFFF  }
0xac: {  	[dreg:$0x1] =	wrdreg $0xFFFFFFFF  }
0xad: {  	[dreg:$0x0] =	wrdreg $0x60  }
0xae: {  	[dreg:$0x2] =	wrdreg s24  }
0xaf: {  	[dreg:$0x3] =	wrdreg s2  }
0xb0: {  	[dreg:$0x4] =	wrdreg $0x9  }
0xb1: {  	_ =	task.clear_ibuf [dreg:s7], $0x5FFFF;
	_ =	strace $0x90000046  }
0xb2: {  	s29 =	simm.s32 $0x9;
	_ =	strace $0x80000048  }
0xb3: {  	_ =	swait.ge [sflag:s29], $0x1  }
0xb4: {  	[sflag:s29] =	ssyncadd.s32 $0xFFFFFFFF  }
0xb5: {  	_ =	strace $0x90000048  }
0xb6: {  	_ =	sfence  }
0xb7: {  	s30 =	sld [smem:$0x0];
	_ =	sdelay $0x2  }
0xb8: {  	s31 =	sshll.u32 s1, $0xD;
	s1 =	sshrl.u32 s1, $0x2  }
0xb9: {  	s3 =	sand.u32 $0x4000, s31;
	s1 =	sadd.s32 s1, s30  }
0xba: {  	s0 =	sor.u32 s3, s0;
	s1 =	sshll.u32 s1, $0x11  }
0xbb: {  	s0 =	sor.u32 s1, s0  }
0xbc: {  	s0 =	sadd.s32 $0x8F2B, s0  }
0xbd: {  	[sflag:s0] =	ssyncadd.remote.s32 $0x1  }
0xbe: {  	_ =	sfence.sel $0xFFFF  }
0xbf: {  	[dreg:$0x0] =	wrdreg $0xFFFFFFFF;
	(pc) =	sbr.abs _section_cstart, $3  }
0xc0: {  	[dreg:$0x1] =	wrdreg $0xFFFFFFFF  }
0xc1: {  	_ =	task.clear_ibuf [dreg:s7], $0x2FFFF;
	_ =	strace $0x9FFFFFFF  }
0xc2: {  	(tm) =	ssettm $0x7FFFFFFF  }
0xc3: {  	_ =	shalt  }
tec
execute0_lowered:
.L_overlay_start_1:
0x0: {  	(tag) =	ssettag $0x1  }
0x1: {  	s1 =	srdreg.scid;
	s0 =	stileid.u32  }
0x2: {  	s5 =	rddreg [dreg:$0x0];
	s10 =	sand.u32 $0x1, s1;
	s31 =	sshll.u32 s0, $0x1  }
0x3: {  	s8 =	rddreg [dreg:$0x1];
	s9 =	sor.u32 s10, s31  }
0x4: {  	s2 =	simm.s32 $0x0;
	s1 =	rddreg [dreg:$0x2];
	s3 =	sshll.u32 s9, $0x4  }
0x5: {  	[smem:$0x7FF] =	sst s2;
	s3 =	sadd.s32 s3, s5  }
0x6: {  	_ =	strace $0x80000047;
	s4 =	sadd.s32 $0x800, s3;
	s3 =	simm.s32 $0x2  }
0x7: {  	[tilespmem:s2], [sflag:$0x2] =	stream.linear.gather [hbm4b:s4+s2], $0x80, $0x38;
	[tilespmem:$0x200] =	vst v63  }
0x8: {  	_ =	swait.ge [sflag:s3], $0x80  }
0x9: {  	s6 =	simm.s32 $0x80;
	[sflag:s3] =	ssyncset.done $0x0  }
0xa: {  	s7 =	simm.s32 $0x1;
	s5 =	sadd.s32 $0xA00, s5;
	[sflag:s3] =	ssyncadd.s32 $0xFFFFFF80  }
0xb: {  	[tilespmem:s6], [sflag:$0x1] =	stream.indirect.gather [hbm4b:s5+s6], $0x1, s2, s6, $0xb8;
	[tilespmem:$0x200] =	vst v63  }
0xc: {  	_ =	swait.ge [sflag:s7], $0x80  }
0xd: {  	[sflag:s7] =	ssyncset.done $0x0  }
0xe: {  	[sflag:s7] =	ssyncadd.s32 $0xFFFFFF80  }
0xf: {  	v0 =	vld [tilespmem:$0xF0]  }
0x10: {  	v1 =	vld [tilespmem:$0xD0];
	_ =	sdelay $0x1  }
0x11: {  	v2 =	vld [tilespmem:$0x90]  }
0x12: {  	v3 =	vld [tilespmem:$0xA0]  }
0x13: {  	v4 =	vld [tilespmem:$0x80];
	v0 =	vsub.f32 $0.0e+00, v0  }
0x14: {  	v5 =	vld [tilespmem:$0xB0];
	v1 =	vsub.f32 $0.0e+00, v1  }
0x15: {  	v6 =	vld [tilespmem:$0xE0];
	v0 =	vmul.f32 $1.442695020e+00, v0  }
0x16: {  	v7 =	vld [tilespmem:$0xC0];
	v2 =	vsub.f32 $0.0e+00, v2;
	v1 =	vmul.f32 $1.442695020e+00, v1  }
0x17: {  	(erf) = vpow2.f32 v0  }
0x18: {  	v2 =	vmul.f32 $1.442695020e+00, v2;
	v0 =	vsub.f32 $0.0e+00, v3;
	(erf) = vpow2.f32 v1  }
0x19: {  	v3 =	vsub.f32 $0.0e+00, v5;
	v1 =	vsub.f32 $0.0e+00, v4  }
0x1a: {  	v4 =	vsub.f32 $0.0e+00, v6;
	v0 =	vmul.f32 $1.442695020e+00, v0;
	(erf) = vpow2.f32 v2  }
0x1b: {  	v2 =	vsub.f32 $0.0e+00, v7;
	v3 =	vmul.f32 $1.442695020e+00, v3;
	v1 =	vmul.f32 $1.442695020e+00, v1  }
0x1c: {  	(erf) = vpow2.f32 v0;
	v0 =	vmul.f32 $1.442695020e+00, v4  }
0x1d: {  	(erf) = vpow2.f32 v1;
	v1 =	vmul.f32 $1.442695020e+00, v2;
	_ =	sdelay $0x1  }
0x1e: {  	(erf) = vpow2.f32 v3  }
0x1f: {  	(erf) = vpow2.f32 v0;
	v0 =	vpop (erf)  }
0x20: {  	(erf) = vpow2.f32 v1;
	v0 =	vadd.f32 $1.000000000e+00, v0;
	v1 =	vpop (erf)  }
0x21: {  	v1 =	vadd.f32 $1.000000000e+00, v1;
	_ =	sdelay $0x2  }
0x22: {  	(erf) = vrcp.f32 v0;
	v0 =	vpop (erf)  }
0x23: {  	(erf) = vrcp.f32 v1;
	v0 =	vadd.f32 $1.000000000e+00, v0;
	v1 =	vpop (erf)  }
0x24: {  	v1 =	vadd.f32 $1.000000000e+00, v1  }
0x25: {  	v2 =	vpop (erf)  }
0x26: {  	v2 =	vadd.f32 $1.000000000e+00, v2  }
0x27: {  	(erf) = vrcp.f32 v0;
	v0 =	vpop (erf)  }
0x28: {  	(erf) = vrcp.f32 v1;
	v0 =	vadd.f32 $1.000000000e+00, v0;
	v1 =	vpop (erf)  }
0x29: {  	v1 =	vadd.f32 $1.000000000e+00, v1  }
0x2a: {  	(erf) = vrcp.f32 v2;
	v2 =	vpop (erf)  }
0x2b: {  	v2 =	vadd.f32 $1.000000000e+00, v2;
	(erf) = vrcp.f32 v0  }
0x2c: {  	(erf) = vrcp.f32 v1;
	v0 =	vpop (erf)  }
0x2d: {  	(erf) = vrcp.f32 v2;
	[tilespmem:$0x170] =	vst v0;
	v0 =	vsub.f32 $1.000000000e+00, v0;
	v1 =	vpop (erf)  }
0x2e: {  	s10 =	ssub.s32 $0x2, s10;
	[tilespmem:$0x150] =	vst v1;
	v1 =	vsub.f32 $1.000000000e+00, v1  }
0x2f: {  	s11 =	sshrl.u32 s10, $0x1  }
0x30: {  	s10 =	ssub.s32 s10, s11;
	[tilespmem:$0x1F0] =	vst v0  }
0x31: {  	s12 =	smax.u32 s10, $0x1;
	[tilespmem:$0x1D0] =	vst v1;
	v0 =	vpop (erf)  }
0x32: {  	p0 =	sne.s32 s12, $0x1;
	[tilespmem:$0x110] =	vst v0;
	v1 =	vpop (erf)  }
.Ltmp0:
0x33: {  	v4 =	vsub.f32 $1.000000000e+00, v0;
	[tilespmem:$0x120] =	vst v1;
	v3 =	vpop (erf);
	(pc) =	sbr.rel @!p0 .LBB2_2-.Ltmp0, $4  }
0x34: {  	v1 =	vsub.f32 $1.000000000e+00, v1;
	[tilespmem:$0x100] =	vst v3;
	v0 =	vpop (erf)  }
0x35: {  	s9 =	sshll.u32 s9, $0x5;
	[tilespmem:$0x190] =	vst v4;
	v2 =	vpop (erf)  }
0x36: {  	s8 =	sadd.s32 s8, s9;
	s11 =	simm.s32 $0x100;
	[tilespmem:$0x1A0] =	vst v1;
	v1 =	vsub.f32 $1.000000000e+00, v3;
	v3 =	vsub.f32 $1.000000000e+00, v0;
	v5 =	vpop (erf)  }
0x37: {  	s9 =	sadd.s32 $0x10, s8;
	s10 =	simm.s32 $0x180;
	s12 =	sadd.s32 $0xFFFFFFFF, s12;
	v4 =	vsub.f32 $1.000000000e+00, v2;
	[tilespmem:$0x140] =	vst v5;
	v5 =	vsub.f32 $1.000000000e+00, v5  }
.LBB2_1:
0x38: {  	p0 =	sne.s32 s12, $0x1;
	s12 =	sadd.s32 $0xFFFFFFFF, s12;
	[tilespmem:$0x160] =	vst v2  }
0x39: {  	[tilespmem:$0x1B0] =	vst v3  }
0x3a: {  	[tilespmem:$0x1C0] =	vst v5  }
0x3b: {  	[tilespmem:$0x130] =	vst v0  }
0x3c: {  	[tilespmem:$0x1E0] =	vst v4  }
0x3d: {  	[tilespmem:$0x180] =	vst v1  }
0x3e: {  	[hbm4b:s8+s2] =	stream.linear.scatter [tilespmem:s11], [sflag:$0x2], $0x80, $0x38;
	[tilespmem:$0x200] =	vst v63  }
0x3f: {  	_ =	swait.ge [sflag:s3], $0x80  }
0x40: {  	[sflag:s3] =	ssyncset.done $0x0  }
0x41: {  	[sflag:s3] =	ssyncadd.s32 $0xFFFFFF80  }
0x42: {  	[hbm4b:s9+s2] =	stream.linear.scatter [tilespmem:s10], [sflag:$0x2], $0x80, $0x38;
	[tilespmem:$0x200] =	vst v63  }
0x43: {  	_ =	swait.ge [sflag:s3], $0x80  }
0x44: {  	[sflag:s3] =	ssyncset.done $0x0  }
0x45: {  	[sflag:s3] =	ssyncadd.s32 $0xFFFFFF80  }
0x46: {  	[tilespmem:s2], [sflag:$0x2] =	stream.linear.gather [hbm4b:s4+s2], $0x80, $0x38;
	[tilespmem:$0x200] =	vst v63  }
0x47: {  	_ =	swait.ge [sflag:s3], $0x80  }
0x48: {  	[sflag:s3] =	ssyncset.done $0x0  }
0x49: {  	[sflag:s3] =	ssyncadd.s32 $0xFFFFFF80  }
0x4a: {  	[tilespmem:s6], [sflag:$0x1] =	stream.indirect.gather [hbm4b:s5+s6], $0x1, s2, s6, $0xb8;
	[tilespmem:$0x200] =	vst v63  }
0x4b: {  	_ =	swait.ge [sflag:s7], $0x80  }
0x4c: {  	[sflag:s7] =	ssyncset.done $0x0  }
0x4d: {  	[sflag:s7] =	ssyncadd.s32 $0xFFFFFF80  }
0x4e: {  	v0 =	vld [tilespmem:$0xF0]  }
0x4f: {  	v1 =	vld [tilespmem:$0xD0]  }
0x50: {  	v2 =	vld [tilespmem:$0x90]  }
0x51: {  	v3 =	vld [tilespmem:$0xE0]  }
0x52: {  	v4 =	vld [tilespmem:$0x80]  }
0x53: {  	v5 =	vld [tilespmem:$0xA0];
	v0 =	vsub.f32 $0.0e+00, v0  }
0x54: {  	v6 =	vld [tilespmem:$0xB0];
	v1 =	vsub.f32 $0.0e+00, v1  }
0x55: {  	v2 =	vsub.f32 $0.0e+00, v2;
	v7 =	vld [tilespmem:$0xC0];
	v0 =	vmul.f32 $1.442695020e+00, v0  }
0x56: {  	v1 =	vmul.f32 $1.442695020e+00, v1;
	v3 =	vsub.f32 $0.0e+00, v3  }
0x57: {  	v4 =	vsub.f32 $0.0e+00, v4;
	(erf) = vpow2.f32 v0  }
0x58: {  	v0 =	vsub.f32 $0.0e+00, v5;
	(erf) = vpow2.f32 v1  }
0x59: {  	v1 =	vmul.f32 $1.442695020e+00, v2;
	v3 =	vmul.f32 $1.442695020e+00, v3;
	v2 =	vsub.f32 $0.0e+00, v6  }
0x5a: {  	v4 =	vmul.f32 $1.442695020e+00, v4;
	v0 =	vmul.f32 $1.442695020e+00, v0;
	v5 =	vsub.f32 $0.0e+00, v7  }
0x5b: {  	v2 =	vmul.f32 $1.442695020e+00, v2;
	(erf) = vpow2.f32 v1  }
0x5c: {  	v1 =	vmul.f32 $1.442695020e+00, v5;
	(erf) = vpow2.f32 v0  }
0x5d: {  	(erf) = vpow2.f32 v4  }
0x5e: {  	(erf) = vpow2.f32 v2  }
0x5f: {  	(erf) = vpow2.f32 v3  }
0x60: {  	(erf) = vpow2.f32 v1;
	v0 =	vpop (erf)  }
0x61: {  	v2 =	vadd.f32 $1.000000000e+00, v0;
	v1 =	vpop (erf)  }
0x62: {  	v3 =	vadd.f32 $1.000000000e+00, v1  }
0x63: {  	(erf) = vrcp.f32 v2  }
0x64: {  	v0 =	vpop (erf);
	(erf) = vrcp.f32 v3  }
0x65: {  	v3 =	vadd.f32 $1.000000000e+00, v0;
	v1 =	vpop (erf)  }
0x66: {  	v4 =	vadd.f32 $1.000000000e+00, v1;
	v2 =	vpop (erf)  }
0x67: {  	v5 =	vadd.f32 $1.000000000e+00, v2;
	(erf) = vrcp.f32 v3;
	v0 =	vpop (erf)  }
0x68: {  	v0 =	vadd.f32 $1.000000000e+00, v0;
	(erf) = vrcp.f32 v4;
	v1 =	vpop (erf)  }
0x69: {  	v1 =	vadd.f32 $1.000000000e+00, v1;
	(erf) = vrcp.f32 v5;
	v2 =	vpop (erf)  }
0x6a: {  	v2 =	vadd.f32 $1.000000000e+00, v2;
	(erf) = vrcp.f32 v0  }
0x6b: {  	(erf) = vrcp.f32 v1  }
0x6c: {  	(erf) = vrcp.f32 v2;
	v0 =	vpop (erf)  }
0x6d: {  	[tilespmem:$0x170] =	vst v0;
	v2 =	vsub.f32 $1.000000000e+00, v0;
	v1 =	vpop (erf)  }
0x6e: {  	[tilespmem:$0x150] =	vst v1;
	v1 =	vsub.f32 $1.000000000e+00, v1  }
0x6f: {  	[tilespmem:$0x1F0] =	vst v2  }
0x70: {  	[tilespmem:$0x1D0] =	vst v1;
	v0 =	vpop (erf)  }
0x71: {  	[tilespmem:$0x110] =	vst v0;
	v4 =	vsub.f32 $1.000000000e+00, v0;
	v0 =	vpop (erf)  }
.Ltmp1:
0x72: {  	[tilespmem:$0x120] =	vst v0;
	v6 =	vsub.f32 $1.000000000e+00, v0;
	v0 =	vpop (erf);
	(pc) =	sbr.rel @p0 .LBB2_1-.Ltmp1, $4  }
0x73: {  	[tilespmem:$0x100] =	vst v0;
	v1 =	vsub.f32 $1.000000000e+00, v0;
	v0 =	vpop (erf)  }
0x74: {  	[tilespmem:$0x1A0] =	vst v6;
	v3 =	vsub.f32 $1.000000000e+00, v0;
	v2 =	vpop (erf)  }
0x75: {  	[tilespmem:$0x190] =	vst v4;
	v4 =	vsub.f32 $1.000000000e+00, v2;
	v5 =	vpop (erf)  }
0x76: {  	[tilespmem:$0x140] =	vst v5;
	v5 =	vsub.f32 $1.000000000e+00, v5  }
.LBB2_2:
0x77: {  	[tilespmem:$0x160] =	vst v2  }
0x78: {  	[tilespmem:$0x1B0] =	vst v3  }
0x79: {  	[tilespmem:$0x130] =	vst v0  }
0x7a: {  	[tilespmem:$0x180] =	vst v1  }
0x7b: {  	[tilespmem:$0x1C0] =	vst v5  }
0x7c: {  	[tilespmem:$0x1E0] =	vst v4  }
0x7d: {  	[hbm4b:s8+s2] =	stream.linear.scatter [tilespmem:s11], [sflag:$0x2], $0x80, $0x38;
	[tilespmem:$0x200] =	vst v63  }
0x7e: {  	_ =	swait.ge [sflag:s3], $0x80  }
0x7f: {  	[sflag:s3] =	ssyncset.done $0x0  }
0x80: {  	[sflag:s3] =	ssyncadd.s32 $0xFFFFFF80  }
0x81: {  	[hbm4b:s9+s2] =	stream.linear.scatter [tilespmem:s10], [sflag:$0x2], $0x80, $0x38;
	[tilespmem:$0x200] =	vst v63  }
0x82: {  	_ =	swait.ge [sflag:s3], $0x80  }
0x83: {  	[sflag:s3] =	ssyncset.done $0x0  }
0x84: {  	[sflag:s3] =	ssyncadd.s32 $0xFFFFFF80  }
0x85: {  	_ =	sfence.sel $0x180000  }
0x86: {  	[bflag:$0x0] =	sbarrier.arrive $0xFFFF  }
0x87: {  	p0 =	sne.s32 s0, $0x0;
	_ =	strace $0x90000047  }
0x88: {  	s0 =	sadd.s32 @!p0 $0x100000, s1;
	[bflag:$0x2] =	sbarrier.arrive $0xFFFF  }
0x89: {  	[sflag:s0] =	ssyncadd.tile.s32 @!p0 $0x1;
	_ =	shalt  }
.Lfunc_end2:
_tile_overlayer_lowered:
.L_overlay_start_2:
0x8a: {  	(tag) =	ssettag $0x2  }
0x8b: {  	s0 =	rddreg [dreg:$0x0];
	s2 =	stileid.u32  }
0x8c: {  	s1 =	rddreg [dreg:$0x1];
	p0 =	sne.s32 s2, $0x0  }
0x8d: {  	s3 =	rddreg [dreg:$0x2];
	[bflag:$0x3] =	sbarrier.arrive $0xFFFF;
	s2 =	simm.s32 @!p0 $0x1C02  }
0x8e: {  	[timem:s3], [sflag:s2] =	dma.local @!p0 [hbm:s0], s1  }
0x8f: {  	s0 =	simm.s32 @!p0 $0x2  }
0x90: {  	_ =	swait.ge @!p0 [sflag:s0], s1  }
0x91: {  	s1 =	ssub.s32 @!p0 $0x0, s1;
	[sflag:s0] =	ssyncset.done @!p0 $0x0  }
0x92: {  	[sflag:s0] =	ssyncadd.s32 @!p0 s1  }
0x93: {  	[bflag:$0x3] =	sbarrier.arrive $0xFFFF  }
0x94: {  	_ =	shalt  }

</sc_bundles>
